<compile_context>
chip_gen: v7x
topology: tpu7x:2x2x1
jax: 0.10.2.dev20260603
libtpu: 0.0.44.dev20260713+nightly
codegen_flags: <defaults>
</compile_context>

<pallas_src>
import functools

import jax
import jax.numpy as jnp
from jax import lax
from jax.experimental import pallas as pl
from jax.experimental.pallas import tpu as pltpu
from jax.experimental.pallas import tpu_sc as plsc

VOCAB = 100000
EMBED_DIM = 128
BATCH = 1024
SENT_LEN = 200

N_ROWS = BATCH * SENT_LEN
NUM_CORES = 2
NUM_SUBCORES = 16
NW = NUM_CORES * NUM_SUBCORES
ROWS_PER_W = N_ROWS // NW
CHUNK = 64
N_CHUNKS = ROWS_PER_W // CHUNK
NBUF = 14
N_GROUPS = -(-N_CHUNKS // NBUF)

_mesh = plsc.VectorSubcoreMesh(core_axis_name="c", subcore_axis_name="s")


@functools.partial(
    pl.kernel,
    mesh=_mesh,
    out_type=jax.ShapeDtypeStruct((NW, N_CHUNKS, CHUNK, EMBED_DIM), jnp.float32),
    scratch_types=[pltpu.VMEM((N_CHUNKS, CHUNK), jnp.int32)]
    + [pltpu.VMEM((CHUNK, EMBED_DIM), jnp.float32) for _ in range(NBUF)]
    + [pltpu.SemaphoreType.DMA for _ in range(2 * NBUF)],
)
def _embedding_gather(table_hbm, idx_hbm, out_hbm, idx_v, *rest):
    bufs = rest[:NBUF]
    gsems = rest[NBUF:2 * NBUF]
    osems = rest[2 * NBUF:]
    wid = lax.axis_index("s") * NUM_CORES + lax.axis_index("c")
    pltpu.sync_copy(idx_hbm.at[wid], idx_v)

    for b in range(NBUF):
        pltpu.async_copy(table_hbm.at[idx_v.at[b]], bufs[b], gsems[b])

    def body(t, carry):
        base = t * NBUF
        for b in range(NBUF):
            j = base + b

            @pl.when(j < N_CHUNKS)
            def _():
                pltpu.make_async_copy(table_hbm.at[idx_v.at[j]], bufs[b], gsems[b]).wait()
                pltpu.async_copy(bufs[b], out_hbm.at[wid, j], osems[b])

        for b in range(NBUF):
            jn = base + b + NBUF

            @pl.when(jn < N_CHUNKS)
            def _():
                pltpu.make_async_copy(bufs[b], out_hbm.at[wid, 0], osems[b]).wait()
                pltpu.async_copy(table_hbm.at[idx_v.at[jn]], bufs[b], gsems[b])

        return carry

    lax.fori_loop(0, N_GROUPS, body, 0)
    for b in range(NBUF):
        pltpu.make_async_copy(bufs[b], out_hbm.at[wid, 0], osems[b]).wait()


def kernel(word_inputs, char_inputs, char_seq_lengths, char_seq_recover, word_embedding):
    idx = word_inputs.reshape(NW, N_CHUNKS, CHUNK).astype(jnp.int32)
    out = _embedding_gather(word_embedding, idx)
    return out.reshape(BATCH, SENT_LEN, EMBED_DIM)

# --- scband reference (transcript-rebuilt; emitter-appended) ---
"""Pipeline reference for scband-word-embedding-47777216200733 (READ-ONLY COPY).

The authoritative reference and input builder live on the scoring server;
editing this copy changes nothing except your own understanding.
"""

import jax, jax.numpy as jnp
import numpy as np

VOCAB = 100000
EMBED_DIM = 128
BATCH = 1024
SENT_LEN = 200

def setup_inputs(seed: int = 0) -> dict:
    key = jax.random.key(seed)
    k1, k2, k3, k4, k5 = jax.random.split(key, 5)
    word_inputs = jax.random.randint(k1, (BATCH, SENT_LEN), 0, VOCAB, dtype=jnp.int64 if jax.config.jax_enable_x64 else jnp.int32)
    char_inputs = jax.random.randint(k2, (BATCH * SENT_LEN, 16), 0, 60, dtype=jnp.int32)
    char_seq_lengths = jax.random.randint(k3, (BATCH * SENT_LEN, 1), 0, 16, dtype=jnp.int32)
    char_seq_recover = jax.random.randint(k4, (BATCH * SENT_LEN,), 0, BATCH * SENT_LEN, dtype=jnp.int32)
    # word embedding table initialized like random_embedding: uniform(-scale, scale)
    scale = np.sqrt(3.0 / EMBED_DIM)
    word_embedding = jax.random.uniform(k5, (VOCAB, EMBED_DIM), dtype=jnp.float32, minval=-scale, maxval=scale)
    return {
        "word_inputs": word_inputs,
        "char_inputs": char_inputs,
        "char_seq_lengths": char_seq_lengths,
        "char_seq_recover": char_seq_recover,
        "word_embedding": word_embedding,
    }

def reference(word_inputs, char_inputs, char_seq_lengths, char_seq_recover, word_embedding):
    # use_char = False: only the word-embedding lookup path is active.
    # nn.Embedding lookup -> gather rows of the table.
    word_embs = jnp.take(word_embedding, word_inputs, axis=0)  # (B, S, D)
    # torch.cat of a single-element list is identity; dropout p=0 / eval mode is identity.
    word_represent = word_embs
    return word_represent

if __name__ == "__main__":
    import jax
    _d = setup_inputs()
    print(jax.jit(kernel)(*tuple(_d.values())))

</pallas_src>

<mosaic_0001>
#map = affine_map<(d0, d1) -> (0, 0)>
#map1 = affine_map<(d0, d1) -> (0, 0, 0)>
#map2 = affine_map<(d0, d1) -> (0, 0, 0, 0)>
module attributes {stable_mosaic.version = 14 : i64} {
  func.func @_embedding_gather(%arg0: i32, %arg1: i32, %arg2: memref<100000x128xf32, #tpu.memory_space<hbm>>, %arg3: memref<32x100x64xi32, #tpu.memory_space<hbm>>, %arg4: memref<32x100x64x128xf32, #tpu.memory_space<hbm>>, %arg5: memref<100x64xi32, #tpu.memory_space<vmem>>, %arg6: memref<64x128xf32, #tpu.memory_space<vmem>>, %arg7: memref<64x128xf32, #tpu.memory_space<vmem>>, %arg8: memref<64x128xf32, #tpu.memory_space<vmem>>, %arg9: memref<64x128xf32, #tpu.memory_space<vmem>>, %arg10: memref<64x128xf32, #tpu.memory_space<vmem>>, %arg11: memref<64x128xf32, #tpu.memory_space<vmem>>, %arg12: memref<64x128xf32, #tpu.memory_space<vmem>>, %arg13: memref<64x128xf32, #tpu.memory_space<vmem>>, %arg14: memref<64x128xf32, #tpu.memory_space<vmem>>, %arg15: memref<64x128xf32, #tpu.memory_space<vmem>>, %arg16: memref<64x128xf32, #tpu.memory_space<vmem>>, %arg17: memref<64x128xf32, #tpu.memory_space<vmem>>, %arg18: memref<64x128xf32, #tpu.memory_space<vmem>>, %arg19: memref<64x128xf32, #tpu.memory_space<vmem>>, %arg20: memref<!tpu.dma_semaphore, #tpu.memory_space<semaphore_mem>>, %arg21: memref<!tpu.dma_semaphore, #tpu.memory_space<semaphore_mem>>, %arg22: memref<!tpu.dma_semaphore, #tpu.memory_space<semaphore_mem>>, %arg23: memref<!tpu.dma_semaphore, #tpu.memory_space<semaphore_mem>>, %arg24: memref<!tpu.dma_semaphore, #tpu.memory_space<semaphore_mem>>, %arg25: memref<!tpu.dma_semaphore, #tpu.memory_space<semaphore_mem>>, %arg26: memref<!tpu.dma_semaphore, #tpu.memory_space<semaphore_mem>>, %arg27: memref<!tpu.dma_semaphore, #tpu.memory_space<semaphore_mem>>, %arg28: memref<!tpu.dma_semaphore, #tpu.memory_space<semaphore_mem>>, %arg29: memref<!tpu.dma_semaphore, #tpu.memory_space<semaphore_mem>>, %arg30: memref<!tpu.dma_semaphore, #tpu.memory_space<semaphore_mem>>, %arg31: memref<!tpu.dma_semaphore, #tpu.memory_space<semaphore_mem>>, %arg32: memref<!tpu.dma_semaphore, #tpu.memory_space<semaphore_mem>>, %arg33: memref<!tpu.dma_semaphore, #tpu.memory_space<semaphore_mem>>, %arg34: memref<!tpu.dma_semaphore, #tpu.memory_space<semaphore_mem>>, %arg35: memref<!tpu.dma_semaphore, #tpu.memory_space<semaphore_mem>>, %arg36: memref<!tpu.dma_semaphore, #tpu.memory_space<semaphore_mem>>, %arg37: memref<!tpu.dma_semaphore, #tpu.memory_space<semaphore_mem>>, %arg38: memref<!tpu.dma_semaphore, #tpu.memory_space<semaphore_mem>>, %arg39: memref<!tpu.dma_semaphore, #tpu.memory_space<semaphore_mem>>, %arg40: memref<!tpu.dma_semaphore, #tpu.memory_space<semaphore_mem>>, %arg41: memref<!tpu.dma_semaphore, #tpu.memory_space<semaphore_mem>>, %arg42: memref<!tpu.dma_semaphore, #tpu.memory_space<semaphore_mem>>, %arg43: memref<!tpu.dma_semaphore, #tpu.memory_space<semaphore_mem>>, %arg44: memref<!tpu.dma_semaphore, #tpu.memory_space<semaphore_mem>>, %arg45: memref<!tpu.dma_semaphore, #tpu.memory_space<semaphore_mem>>, %arg46: memref<!tpu.dma_semaphore, #tpu.memory_space<semaphore_mem>>, %arg47: memref<!tpu.dma_semaphore, #tpu.memory_space<semaphore_mem>>) attributes {dimension_semantics = [#tpu.dimension_semantics<core_parallel>, #tpu.dimension_semantics<subcore_parallel>], iteration_bounds = array<i64: 2, 16>, scalar_prefetch = 0 : i64, scratch_operands = 43 : i64, tpu.core_type = #tpu.core_type<sc_vector_subcore>, window_params = [{transform_indices = #map}, {transform_indices = #map1}, {transform_indices = #map2}]} {
    %mul3A = arith.constant 2 : i32
    %mul3A_0 = arith.muli %arg1, %mul3A : i32
    %add3A = arith.addi %mul3A_0, %arg0 : i32
    "tpu.region"() ({
      %run_scoped3A = tpu.sem_alloc : memref<!tpu.dma_semaphore, #tpu.memory_space<semaphore_mem>>
      %dma_start3A_228 = arith.constant 0 : i32
      %dma_start3A_229 = arith.constant 0 : i32
      %dma_start3A_230 = tpu.memref_slice %arg3[%add3A, %dma_start3A_228, %dma_start3A_229] : memref<32x100x64xi32, #tpu.memory_space<hbm>> -> memref<1x100x64xi32, #tpu.memory_space<hbm>>
      %dma_start3A_231 = tpu.memref_squeeze %dma_start3A_230 : memref<1x100x64xi32, #tpu.memory_space<hbm>> -> memref<100x64xi32, #tpu.memory_space<hbm>>
      %dma_start3A_232 = arith.constant 0 : i32
      %dma_start3A_233 = arith.constant 0 : i32
      %dma_start3A_234 = tpu.memref_slice %arg3[%add3A, %dma_start3A_232, %dma_start3A_233] : memref<32x100x64xi32, #tpu.memory_space<hbm>> -> memref<1x100x64xi32, #tpu.memory_space<hbm>>
      %dma_start3A_235 = tpu.memref_squeeze %dma_start3A_234 : memref<1x100x64xi32, #tpu.memory_space<hbm>> -> memref<100x64xi32, #tpu.memory_space<hbm>>
      tpu.enqueue_dma source(%dma_start3A_235 : memref<100x64xi32, #tpu.memory_space<hbm>>) target(%arg5 : memref<100x64xi32, #tpu.memory_space<vmem>>) target_semaphore(%run_scoped3A : memref<!tpu.dma_semaphore, #tpu.memory_space<semaphore_mem>>)
      %dma_wait3A_236 = arith.constant 0 : i32
      %dma_wait3A_237 = arith.constant 0 : i32
      %dma_wait3A_238 = tpu.memref_slice %arg3[%add3A, %dma_wait3A_236, %dma_wait3A_237] : memref<32x100x64xi32, #tpu.memory_space<hbm>> -> memref<1x100x64xi32, #tpu.memory_space<hbm>>
      %dma_wait3A_239 = tpu.memref_squeeze %dma_wait3A_238 : memref<1x100x64xi32, #tpu.memory_space<hbm>> -> memref<100x64xi32, #tpu.memory_space<hbm>>
      %dma_wait3A_240 = arith.constant 0 : i32
      %dma_wait3A_241 = arith.constant 0 : i32
      %dma_wait3A_242 = tpu.memref_slice %arg3[%add3A, %dma_wait3A_240, %dma_wait3A_241] : memref<32x100x64xi32, #tpu.memory_space<hbm>> -> memref<1x100x64xi32, #tpu.memory_space<hbm>>
      %dma_wait3A_243 = tpu.memref_squeeze %dma_wait3A_242 : memref<1x100x64xi32, #tpu.memory_space<hbm>> -> memref<100x64xi32, #tpu.memory_space<hbm>>
      tpu.wait_dma2 semaphore(%run_scoped3A : memref<!tpu.dma_semaphore, #tpu.memory_space<semaphore_mem>>) src(%dma_wait3A_243 : memref<100x64xi32, #tpu.memory_space<hbm>>) dst(%arg5 : memref<100x64xi32, #tpu.memory_space<vmem>>)
      tpu.yield
    }) : () -> ()
    %dma_start3A = arith.constant 0 : i32
    %dma_start3A_1 = arith.constant 0 : i32
    %dma_start3A_2 = tpu.memref_slice %arg5[%dma_start3A, %dma_start3A_1] : memref<100x64xi32, #tpu.memory_space<vmem>> -> memref<1x64xi32, #tpu.memory_space<vmem>>
    %dma_start3A_3 = tpu.memref_squeeze %dma_start3A_2 : memref<1x64xi32, #tpu.memory_space<vmem>> -> memref<64xi32, #tpu.memory_space<vmem>>
    %dma_start3A_4 = arith.constant 0 : i32
    %dma_start3A_5 = arith.constant 0 : i32
    %dma_start3A_6 = tpu.memref_slice %arg2[%dma_start3A_4, %dma_start3A_5] : memref<100000x128xf32, #tpu.memory_space<hbm>> -> memref<100000x128xf32, #tpu.memory_space<hbm>>
    tpu.enqueue_indirect_dma source(%dma_start3A_6 : memref<100000x128xf32, #tpu.memory_space<hbm>>) target(%arg6 : memref<64x128xf32, #tpu.memory_space<vmem>>) offsets(%dma_start3A_3 : memref<64xi32, #tpu.memory_space<vmem>>) semaphore(%arg20 : memref<!tpu.dma_semaphore, #tpu.memory_space<semaphore_mem>>)
    %dma_start3A_7 = arith.constant 1 : i32
    %dma_start3A_8 = arith.constant 0 : i32
    %dma_start3A_9 = tpu.memref_slice %arg5[%dma_start3A_7, %dma_start3A_8] : memref<100x64xi32, #tpu.memory_space<vmem>> -> memref<1x64xi32, #tpu.memory_space<vmem>>
    %dma_start3A_10 = tpu.memref_squeeze %dma_start3A_9 : memref<1x64xi32, #tpu.memory_space<vmem>> -> memref<64xi32, #tpu.memory_space<vmem>>
    %dma_start3A_11 = arith.constant 0 : i32
    %dma_start3A_12 = arith.constant 0 : i32
    %dma_start3A_13 = tpu.memref_slice %arg2[%dma_start3A_11, %dma_start3A_12] : memref<100000x128xf32, #tpu.memory_space<hbm>> -> memref<100000x128xf32, #tpu.memory_space<hbm>>
    tpu.enqueue_indirect_dma source(%dma_start3A_13 : memref<100000x128xf32, #tpu.memory_space<hbm>>) target(%arg7 : memref<64x128xf32, #tpu.memory_space<vmem>>) offsets(%dma_start3A_10 : memref<64xi32, #tpu.memory_space<vmem>>) semaphore(%arg21 : memref<!tpu.dma_semaphore, #tpu.memory_space<semaphore_mem>>)
    %dma_start3A_14 = arith.constant 2 : i32
    %dma_start3A_15 = arith.constant 0 : i32
    %dma_start3A_16 = tpu.memref_slice %arg5[%dma_start3A_14, %dma_start3A_15] : memref<100x64xi32, #tpu.memory_space<vmem>> -> memref<1x64xi32, #tpu.memory_space<vmem>>
    %dma_start3A_17 = tpu.memref_squeeze %dma_start3A_16 : memref<1x64xi32, #tpu.memory_space<vmem>> -> memref<64xi32, #tpu.memory_space<vmem>>
    %dma_start3A_18 = arith.constant 0 : i32
    %dma_start3A_19 = arith.constant 0 : i32
    %dma_start3A_20 = tpu.memref_slice %arg2[%dma_start3A_18, %dma_start3A_19] : memref<100000x128xf32, #tpu.memory_space<hbm>> -> memref<100000x128xf32, #tpu.memory_space<hbm>>
    tpu.enqueue_indirect_dma source(%dma_start3A_20 : memref<100000x128xf32, #tpu.memory_space<hbm>>) target(%arg8 : memref<64x128xf32, #tpu.memory_space<vmem>>) offsets(%dma_start3A_17 : memref<64xi32, #tpu.memory_space<vmem>>) semaphore(%arg22 : memref<!tpu.dma_semaphore, #tpu.memory_space<semaphore_mem>>)
    %dma_start3A_21 = arith.constant 3 : i32
    %dma_start3A_22 = arith.constant 0 : i32
    %dma_start3A_23 = tpu.memref_slice %arg5[%dma_start3A_21, %dma_start3A_22] : memref<100x64xi32, #tpu.memory_space<vmem>> -> memref<1x64xi32, #tpu.memory_space<vmem>>
    %dma_start3A_24 = tpu.memref_squeeze %dma_start3A_23 : memref<1x64xi32, #tpu.memory_space<vmem>> -> memref<64xi32, #tpu.memory_space<vmem>>
    %dma_start3A_25 = arith.constant 0 : i32
    %dma_start3A_26 = arith.constant 0 : i32
    %dma_start3A_27 = tpu.memref_slice %arg2[%dma_start3A_25, %dma_start3A_26] : memref<100000x128xf32, #tpu.memory_space<hbm>> -> memref<100000x128xf32, #tpu.memory_space<hbm>>
    tpu.enqueue_indirect_dma source(%dma_start3A_27 : memref<100000x128xf32, #tpu.memory_space<hbm>>) target(%arg9 : memref<64x128xf32, #tpu.memory_space<vmem>>) offsets(%dma_start3A_24 : memref<64xi32, #tpu.memory_space<vmem>>) semaphore(%arg23 : memref<!tpu.dma_semaphore, #tpu.memory_space<semaphore_mem>>)
    %dma_start3A_28 = arith.constant 4 : i32
    %dma_start3A_29 = arith.constant 0 : i32
    %dma_start3A_30 = tpu.memref_slice %arg5[%dma_start3A_28, %dma_start3A_29] : memref<100x64xi32, #tpu.memory_space<vmem>> -> memref<1x64xi32, #tpu.memory_space<vmem>>
    %dma_start3A_31 = tpu.memref_squeeze %dma_start3A_30 : memref<1x64xi32, #tpu.memory_space<vmem>> -> memref<64xi32, #tpu.memory_space<vmem>>
    %dma_start3A_32 = arith.constant 0 : i32
    %dma_start3A_33 = arith.constant 0 : i32
    %dma_start3A_34 = tpu.memref_slice %arg2[%dma_start3A_32, %dma_start3A_33] : memref<100000x128xf32, #tpu.memory_space<hbm>> -> memref<100000x128xf32, #tpu.memory_space<hbm>>
    tpu.enqueue_indirect_dma source(%dma_start3A_34 : memref<100000x128xf32, #tpu.memory_space<hbm>>) target(%arg10 : memref<64x128xf32, #tpu.memory_space<vmem>>) offsets(%dma_start3A_31 : memref<64xi32, #tpu.memory_space<vmem>>) semaphore(%arg24 : memref<!tpu.dma_semaphore, #tpu.memory_space<semaphore_mem>>)
    %dma_start3A_35 = arith.constant 5 : i32
    %dma_start3A_36 = arith.constant 0 : i32
    %dma_start3A_37 = tpu.memref_slice %arg5[%dma_start3A_35, %dma_start3A_36] : memref<100x64xi32, #tpu.memory_space<vmem>> -> memref<1x64xi32, #tpu.memory_space<vmem>>
    %dma_start3A_38 = tpu.memref_squeeze %dma_start3A_37 : memref<1x64xi32, #tpu.memory_space<vmem>> -> memref<64xi32, #tpu.memory_space<vmem>>
    %dma_start3A_39 = arith.constant 0 : i32
    %dma_start3A_40 = arith.constant 0 : i32
    %dma_start3A_41 = tpu.memref_slice %arg2[%dma_start3A_39, %dma_start3A_40] : memref<100000x128xf32, #tpu.memory_space<hbm>> -> memref<100000x128xf32, #tpu.memory_space<hbm>>
    tpu.enqueue_indirect_dma source(%dma_start3A_41 : memref<100000x128xf32, #tpu.memory_space<hbm>>) target(%arg11 : memref<64x128xf32, #tpu.memory_space<vmem>>) offsets(%dma_start3A_38 : memref<64xi32, #tpu.memory_space<vmem>>) semaphore(%arg25 : memref<!tpu.dma_semaphore, #tpu.memory_space<semaphore_mem>>)
    %dma_start3A_42 = arith.constant 6 : i32
    %dma_start3A_43 = arith.constant 0 : i32
    %dma_start3A_44 = tpu.memref_slice %arg5[%dma_start3A_42, %dma_start3A_43] : memref<100x64xi32, #tpu.memory_space<vmem>> -> memref<1x64xi32, #tpu.memory_space<vmem>>
    %dma_start3A_45 = tpu.memref_squeeze %dma_start3A_44 : memref<1x64xi32, #tpu.memory_space<vmem>> -> memref<64xi32, #tpu.memory_space<vmem>>
    %dma_start3A_46 = arith.constant 0 : i32
    %dma_start3A_47 = arith.constant 0 : i32
    %dma_start3A_48 = tpu.memref_slice %arg2[%dma_start3A_46, %dma_start3A_47] : memref<100000x128xf32, #tpu.memory_space<hbm>> -> memref<100000x128xf32, #tpu.memory_space<hbm>>
    tpu.enqueue_indirect_dma source(%dma_start3A_48 : memref<100000x128xf32, #tpu.memory_space<hbm>>) target(%arg12 : memref<64x128xf32, #tpu.memory_space<vmem>>) offsets(%dma_start3A_45 : memref<64xi32, #tpu.memory_space<vmem>>) semaphore(%arg26 : memref<!tpu.dma_semaphore, #tpu.memory_space<semaphore_mem>>)
    %dma_start3A_49 = arith.constant 7 : i32
    %dma_start3A_50 = arith.constant 0 : i32
    %dma_start3A_51 = tpu.memref_slice %arg5[%dma_start3A_49, %dma_start3A_50] : memref<100x64xi32, #tpu.memory_space<vmem>> -> memref<1x64xi32, #tpu.memory_space<vmem>>
    %dma_start3A_52 = tpu.memref_squeeze %dma_start3A_51 : memref<1x64xi32, #tpu.memory_space<vmem>> -> memref<64xi32, #tpu.memory_space<vmem>>
    %dma_start3A_53 = arith.constant 0 : i32
    %dma_start3A_54 = arith.constant 0 : i32
    %dma_start3A_55 = tpu.memref_slice %arg2[%dma_start3A_53, %dma_start3A_54] : memref<100000x128xf32, #tpu.memory_space<hbm>> -> memref<100000x128xf32, #tpu.memory_space<hbm>>
    tpu.enqueue_indirect_dma source(%dma_start3A_55 : memref<100000x128xf32, #tpu.memory_space<hbm>>) target(%arg13 : memref<64x128xf32, #tpu.memory_space<vmem>>) offsets(%dma_start3A_52 : memref<64xi32, #tpu.memory_space<vmem>>) semaphore(%arg27 : memref<!tpu.dma_semaphore, #tpu.memory_space<semaphore_mem>>)
    %dma_start3A_56 = arith.constant 8 : i32
    %dma_start3A_57 = arith.constant 0 : i32
    %dma_start3A_58 = tpu.memref_slice %arg5[%dma_start3A_56, %dma_start3A_57] : memref<100x64xi32, #tpu.memory_space<vmem>> -> memref<1x64xi32, #tpu.memory_space<vmem>>
    %dma_start3A_59 = tpu.memref_squeeze %dma_start3A_58 : memref<1x64xi32, #tpu.memory_space<vmem>> -> memref<64xi32, #tpu.memory_space<vmem>>
    %dma_start3A_60 = arith.constant 0 : i32
    %dma_start3A_61 = arith.constant 0 : i32
    %dma_start3A_62 = tpu.memref_slice %arg2[%dma_start3A_60, %dma_start3A_61] : memref<100000x128xf32, #tpu.memory_space<hbm>> -> memref<100000x128xf32, #tpu.memory_space<hbm>>
    tpu.enqueue_indirect_dma source(%dma_start3A_62 : memref<100000x128xf32, #tpu.memory_space<hbm>>) target(%arg14 : memref<64x128xf32, #tpu.memory_space<vmem>>) offsets(%dma_start3A_59 : memref<64xi32, #tpu.memory_space<vmem>>) semaphore(%arg28 : memref<!tpu.dma_semaphore, #tpu.memory_space<semaphore_mem>>)
    %dma_start3A_63 = arith.constant 9 : i32
    %dma_start3A_64 = arith.constant 0 : i32
    %dma_start3A_65 = tpu.memref_slice %arg5[%dma_start3A_63, %dma_start3A_64] : memref<100x64xi32, #tpu.memory_space<vmem>> -> memref<1x64xi32, #tpu.memory_space<vmem>>
    %dma_start3A_66 = tpu.memref_squeeze %dma_start3A_65 : memref<1x64xi32, #tpu.memory_space<vmem>> -> memref<64xi32, #tpu.memory_space<vmem>>
    %dma_start3A_67 = arith.constant 0 : i32
    %dma_start3A_68 = arith.constant 0 : i32
    %dma_start3A_69 = tpu.memref_slice %arg2[%dma_start3A_67, %dma_start3A_68] : memref<100000x128xf32, #tpu.memory_space<hbm>> -> memref<100000x128xf32, #tpu.memory_space<hbm>>
    tpu.enqueue_indirect_dma source(%dma_start3A_69 : memref<100000x128xf32, #tpu.memory_space<hbm>>) target(%arg15 : memref<64x128xf32, #tpu.memory_space<vmem>>) offsets(%dma_start3A_66 : memref<64xi32, #tpu.memory_space<vmem>>) semaphore(%arg29 : memref<!tpu.dma_semaphore, #tpu.memory_space<semaphore_mem>>)
    %dma_start3A_70 = arith.constant 10 : i32
    %dma_start3A_71 = arith.constant 0 : i32
    %dma_start3A_72 = tpu.memref_slice %arg5[%dma_start3A_70, %dma_start3A_71] : memref<100x64xi32, #tpu.memory_space<vmem>> -> memref<1x64xi32, #tpu.memory_space<vmem>>
    %dma_start3A_73 = tpu.memref_squeeze %dma_start3A_72 : memref<1x64xi32, #tpu.memory_space<vmem>> -> memref<64xi32, #tpu.memory_space<vmem>>
    %dma_start3A_74 = arith.constant 0 : i32
    %dma_start3A_75 = arith.constant 0 : i32
    %dma_start3A_76 = tpu.memref_slice %arg2[%dma_start3A_74, %dma_start3A_75] : memref<100000x128xf32, #tpu.memory_space<hbm>> -> memref<100000x128xf32, #tpu.memory_space<hbm>>
    tpu.enqueue_indirect_dma source(%dma_start3A_76 : memref<100000x128xf32, #tpu.memory_space<hbm>>) target(%arg16 : memref<64x128xf32, #tpu.memory_space<vmem>>) offsets(%dma_start3A_73 : memref<64xi32, #tpu.memory_space<vmem>>) semaphore(%arg30 : memref<!tpu.dma_semaphore, #tpu.memory_space<semaphore_mem>>)
    %dma_start3A_77 = arith.constant 11 : i32
    %dma_start3A_78 = arith.constant 0 : i32
    %dma_start3A_79 = tpu.memref_slice %arg5[%dma_start3A_77, %dma_start3A_78] : memref<100x64xi32, #tpu.memory_space<vmem>> -> memref<1x64xi32, #tpu.memory_space<vmem>>
    %dma_start3A_80 = tpu.memref_squeeze %dma_start3A_79 : memref<1x64xi32, #tpu.memory_space<vmem>> -> memref<64xi32, #tpu.memory_space<vmem>>
    %dma_start3A_81 = arith.constant 0 : i32
    %dma_start3A_82 = arith.constant 0 : i32
    %dma_start3A_83 = tpu.memref_slice %arg2[%dma_start3A_81, %dma_start3A_82] : memref<100000x128xf32, #tpu.memory_space<hbm>> -> memref<100000x128xf32, #tpu.memory_space<hbm>>
    tpu.enqueue_indirect_dma source(%dma_start3A_83 : memref<100000x128xf32, #tpu.memory_space<hbm>>) target(%arg17 : memref<64x128xf32, #tpu.memory_space<vmem>>) offsets(%dma_start3A_80 : memref<64xi32, #tpu.memory_space<vmem>>) semaphore(%arg31 : memref<!tpu.dma_semaphore, #tpu.memory_space<semaphore_mem>>)
    %dma_start3A_84 = arith.constant 12 : i32
    %dma_start3A_85 = arith.constant 0 : i32
    %dma_start3A_86 = tpu.memref_slice %arg5[%dma_start3A_84, %dma_start3A_85] : memref<100x64xi32, #tpu.memory_space<vmem>> -> memref<1x64xi32, #tpu.memory_space<vmem>>
    %dma_start3A_87 = tpu.memref_squeeze %dma_start3A_86 : memref<1x64xi32, #tpu.memory_space<vmem>> -> memref<64xi32, #tpu.memory_space<vmem>>
    %dma_start3A_88 = arith.constant 0 : i32
    %dma_start3A_89 = arith.constant 0 : i32
    %dma_start3A_90 = tpu.memref_slice %arg2[%dma_start3A_88, %dma_start3A_89] : memref<100000x128xf32, #tpu.memory_space<hbm>> -> memref<100000x128xf32, #tpu.memory_space<hbm>>
    tpu.enqueue_indirect_dma source(%dma_start3A_90 : memref<100000x128xf32, #tpu.memory_space<hbm>>) target(%arg18 : memref<64x128xf32, #tpu.memory_space<vmem>>) offsets(%dma_start3A_87 : memref<64xi32, #tpu.memory_space<vmem>>) semaphore(%arg32 : memref<!tpu.dma_semaphore, #tpu.memory_space<semaphore_mem>>)
    %dma_start3A_91 = arith.constant 13 : i32
    %dma_start3A_92 = arith.constant 0 : i32
    %dma_start3A_93 = tpu.memref_slice %arg5[%dma_start3A_91, %dma_start3A_92] : memref<100x64xi32, #tpu.memory_space<vmem>> -> memref<1x64xi32, #tpu.memory_space<vmem>>
    %dma_start3A_94 = tpu.memref_squeeze %dma_start3A_93 : memref<1x64xi32, #tpu.memory_space<vmem>> -> memref<64xi32, #tpu.memory_space<vmem>>
    %dma_start3A_95 = arith.constant 0 : i32
    %dma_start3A_96 = arith.constant 0 : i32
    %dma_start3A_97 = tpu.memref_slice %arg2[%dma_start3A_95, %dma_start3A_96] : memref<100000x128xf32, #tpu.memory_space<hbm>> -> memref<100000x128xf32, #tpu.memory_space<hbm>>
    tpu.enqueue_indirect_dma source(%dma_start3A_97 : memref<100000x128xf32, #tpu.memory_space<hbm>>) target(%arg19 : memref<64x128xf32, #tpu.memory_space<vmem>>) offsets(%dma_start3A_94 : memref<64xi32, #tpu.memory_space<vmem>>) semaphore(%arg33 : memref<!tpu.dma_semaphore, #tpu.memory_space<semaphore_mem>>)
    %scan3A = arith.constant 0 : i32
    %scan3A_98 = arith.constant 0 : i32
    %scan3A_99 = arith.constant 8 : i32
    %scan3A_100 = arith.addi %scan3A_98, %scan3A_99 : i32
    %scan3A_101 = arith.constant 1 : i32
    scf.for %scan3A_228 = %scan3A_98 to %scan3A_100 step %scan3A_101  : i32 {
      %mul3A_229 = arith.constant 14 : i32
      %mul3A_230 = arith.muli %scan3A_228, %mul3A_229 : i32
      %add3A_231 = arith.constant 0 : i32
      %add3A_232 = arith.addi %mul3A_230, %add3A_231 : i32
      %lt3A = arith.constant 100 : i32
      %lt3A_233 = arith.cmpi slt, %add3A_232, %lt3A : i32
      %convert_element_type3A = arith.extui %lt3A_233 : i1 to i32
      %cond3A = arith.constant 0 : i32
      %cond3A_234 = arith.cmpi ne, %convert_element_type3A, %cond3A : i32
      scf.if %cond3A_234 {
        %dma_wait3A_452 = arith.constant 0 : i32
        %dma_wait3A_453 = tpu.memref_slice %arg5[%add3A_232, %dma_wait3A_452] : memref<100x64xi32, #tpu.memory_space<vmem>> -> memref<1x64xi32, #tpu.memory_space<vmem>>
        %dma_wait3A_454 = tpu.memref_squeeze %dma_wait3A_453 : memref<1x64xi32, #tpu.memory_space<vmem>> -> memref<64xi32, #tpu.memory_space<vmem>>
        %dma_wait3A_455 = arith.constant 0 : i32
        %dma_wait3A_456 = arith.constant 0 : i32
        %dma_wait3A_457 = tpu.memref_slice %arg2[%dma_wait3A_455, %dma_wait3A_456] : memref<100000x128xf32, #tpu.memory_space<hbm>> -> memref<100000x128xf32, #tpu.memory_space<hbm>>
        tpu.wait_indirect_dma semaphore(%arg20 : memref<!tpu.dma_semaphore, #tpu.memory_space<semaphore_mem>>) src(%dma_wait3A_457 : memref<100000x128xf32, #tpu.memory_space<hbm>>) dst(%arg6 : memref<64x128xf32, #tpu.memory_space<vmem>>)
        %dma_start3A_458 = arith.constant 0 : i32
        %dma_start3A_459 = arith.constant 0 : i32
        %dma_start3A_460 = tpu.memref_slice %arg4[%add3A, %add3A_232, %dma_start3A_458, %dma_start3A_459] : memref<32x100x64x128xf32, #tpu.memory_space<hbm>> -> memref<1x1x64x128xf32, #tpu.memory_space<hbm>>
        %dma_start3A_461 = tpu.memref_squeeze %dma_start3A_460 : memref<1x1x64x128xf32, #tpu.memory_space<hbm>> -> memref<64x128xf32, #tpu.memory_space<hbm>>
        %dma_start3A_462 = arith.constant 0 : i32
        %dma_start3A_463 = arith.constant 0 : i32
        %dma_start3A_464 = tpu.memref_slice %arg4[%add3A, %add3A_232, %dma_start3A_462, %dma_start3A_463] : memref<32x100x64x128xf32, #tpu.memory_space<hbm>> -> memref<1x1x64x128xf32, #tpu.memory_space<hbm>>
        %dma_start3A_465 = tpu.memref_squeeze %dma_start3A_464 : memref<1x1x64x128xf32, #tpu.memory_space<hbm>> -> memref<64x128xf32, #tpu.memory_space<hbm>>
        tpu.enqueue_dma source(%arg6 : memref<64x128xf32, #tpu.memory_space<vmem>>) target(%dma_start3A_465 : memref<64x128xf32, #tpu.memory_space<hbm>>) target_semaphore(%arg34 : memref<!tpu.dma_semaphore, #tpu.memory_space<semaphore_mem>>)
      } else {
      }
      %add3A_235 = arith.constant 1 : i32
      %add3A_236 = arith.addi %mul3A_230, %add3A_235 : i32
      %lt3A_237 = arith.constant 100 : i32
      %lt3A_238 = arith.cmpi slt, %add3A_236, %lt3A_237 : i32
      %convert_element_type3A_239 = arith.extui %lt3A_238 : i1 to i32
      %cond3A_240 = arith.constant 0 : i32
      %cond3A_241 = arith.cmpi ne, %convert_element_type3A_239, %cond3A_240 : i32
      scf.if %cond3A_241 {
        %dma_wait3A_452 = arith.constant 0 : i32
        %dma_wait3A_453 = tpu.memref_slice %arg5[%add3A_236, %dma_wait3A_452] : memref<100x64xi32, #tpu.memory_space<vmem>> -> memref<1x64xi32, #tpu.memory_space<vmem>>
        %dma_wait3A_454 = tpu.memref_squeeze %dma_wait3A_453 : memref<1x64xi32, #tpu.memory_space<vmem>> -> memref<64xi32, #tpu.memory_space<vmem>>
        %dma_wait3A_455 = arith.constant 0 : i32
        %dma_wait3A_456 = arith.constant 0 : i32
        %dma_wait3A_457 = tpu.memref_slice %arg2[%dma_wait3A_455, %dma_wait3A_456] : memref<100000x128xf32, #tpu.memory_space<hbm>> -> memref<100000x128xf32, #tpu.memory_space<hbm>>
        tpu.wait_indirect_dma semaphore(%arg21 : memref<!tpu.dma_semaphore, #tpu.memory_space<semaphore_mem>>) src(%dma_wait3A_457 : memref<100000x128xf32, #tpu.memory_space<hbm>>) dst(%arg7 : memref<64x128xf32, #tpu.memory_space<vmem>>)
        %dma_start3A_458 = arith.constant 0 : i32
        %dma_start3A_459 = arith.constant 0 : i32
        %dma_start3A_460 = tpu.memref_slice %arg4[%add3A, %add3A_236, %dma_start3A_458, %dma_start3A_459] : memref<32x100x64x128xf32, #tpu.memory_space<hbm>> -> memref<1x1x64x128xf32, #tpu.memory_space<hbm>>
        %dma_start3A_461 = tpu.memref_squeeze %dma_start3A_460 : memref<1x1x64x128xf32, #tpu.memory_space<hbm>> -> memref<64x128xf32, #tpu.memory_space<hbm>>
        %dma_start3A_462 = arith.constant 0 : i32
        %dma_start3A_463 = arith.constant 0 : i32
        %dma_start3A_464 = tpu.memref_slice %arg4[%add3A, %add3A_236, %dma_start3A_462, %dma_start3A_463] : memref<32x100x64x128xf32, #tpu.memory_space<hbm>> -> memref<1x1x64x128xf32, #tpu.memory_space<hbm>>
        %dma_start3A_465 = tpu.memref_squeeze %dma_start3A_464 : memref<1x1x64x128xf32, #tpu.memory_space<hbm>> -> memref<64x128xf32, #tpu.memory_space<hbm>>
        tpu.enqueue_dma source(%arg7 : memref<64x128xf32, #tpu.memory_space<vmem>>) target(%dma_start3A_465 : memref<64x128xf32, #tpu.memory_space<hbm>>) target_semaphore(%arg35 : memref<!tpu.dma_semaphore, #tpu.memory_space<semaphore_mem>>)
      } else {
      }
      %add3A_242 = arith.constant 2 : i32
      %add3A_243 = arith.addi %mul3A_230, %add3A_242 : i32
      %lt3A_244 = arith.constant 100 : i32
      %lt3A_245 = arith.cmpi slt, %add3A_243, %lt3A_244 : i32
      %convert_element_type3A_246 = arith.extui %lt3A_245 : i1 to i32
      %cond3A_247 = arith.constant 0 : i32
      %cond3A_248 = arith.cmpi ne, %convert_element_type3A_246, %cond3A_247 : i32
      scf.if %cond3A_248 {
        %dma_wait3A_452 = arith.constant 0 : i32
        %dma_wait3A_453 = tpu.memref_slice %arg5[%add3A_243, %dma_wait3A_452] : memref<100x64xi32, #tpu.memory_space<vmem>> -> memref<1x64xi32, #tpu.memory_space<vmem>>
        %dma_wait3A_454 = tpu.memref_squeeze %dma_wait3A_453 : memref<1x64xi32, #tpu.memory_space<vmem>> -> memref<64xi32, #tpu.memory_space<vmem>>
        %dma_wait3A_455 = arith.constant 0 : i32
        %dma_wait3A_456 = arith.constant 0 : i32
        %dma_wait3A_457 = tpu.memref_slice %arg2[%dma_wait3A_455, %dma_wait3A_456] : memref<100000x128xf32, #tpu.memory_space<hbm>> -> memref<100000x128xf32, #tpu.memory_space<hbm>>
        tpu.wait_indirect_dma semaphore(%arg22 : memref<!tpu.dma_semaphore, #tpu.memory_space<semaphore_mem>>) src(%dma_wait3A_457 : memref<100000x128xf32, #tpu.memory_space<hbm>>) dst(%arg8 : memref<64x128xf32, #tpu.memory_space<vmem>>)
        %dma_start3A_458 = arith.constant 0 : i32
        %dma_start3A_459 = arith.constant 0 : i32
        %dma_start3A_460 = tpu.memref_slice %arg4[%add3A, %add3A_243, %dma_start3A_458, %dma_start3A_459] : memref<32x100x64x128xf32, #tpu.memory_space<hbm>> -> memref<1x1x64x128xf32, #tpu.memory_space<hbm>>
        %dma_start3A_461 = tpu.memref_squeeze %dma_start3A_460 : memref<1x1x64x128xf32, #tpu.memory_space<hbm>> -> memref<64x128xf32, #tpu.memory_space<hbm>>
        %dma_start3A_462 = arith.constant 0 : i32
        %dma_start3A_463 = arith.constant 0 : i32
        %dma_start3A_464 = tpu.memref_slice %arg4[%add3A, %add3A_243, %dma_start3A_462, %dma_start3A_463] : memref<32x100x64x128xf32, #tpu.memory_space<hbm>> -> memref<1x1x64x128xf32, #tpu.memory_space<hbm>>
        %dma_start3A_465 = tpu.memref_squeeze %dma_start3A_464 : memref<1x1x64x128xf32, #tpu.memory_space<hbm>> -> memref<64x128xf32, #tpu.memory_space<hbm>>
        tpu.enqueue_dma source(%arg8 : memref<64x128xf32, #tpu.memory_space<vmem>>) target(%dma_start3A_465 : memref<64x128xf32, #tpu.memory_space<hbm>>) target_semaphore(%arg36 : memref<!tpu.dma_semaphore, #tpu.memory_space<semaphore_mem>>)
      } else {
      }
      %add3A_249 = arith.constant 3 : i32
      %add3A_250 = arith.addi %mul3A_230, %add3A_249 : i32
      %lt3A_251 = arith.constant 100 : i32
      %lt3A_252 = arith.cmpi slt, %add3A_250, %lt3A_251 : i32
      %convert_element_type3A_253 = arith.extui %lt3A_252 : i1 to i32
      %cond3A_254 = arith.constant 0 : i32
      %cond3A_255 = arith.cmpi ne, %convert_element_type3A_253, %cond3A_254 : i32
      scf.if %cond3A_255 {
        %dma_wait3A_452 = arith.constant 0 : i32
        %dma_wait3A_453 = tpu.memref_slice %arg5[%add3A_250, %dma_wait3A_452] : memref<100x64xi32, #tpu.memory_space<vmem>> -> memref<1x64xi32, #tpu.memory_space<vmem>>
        %dma_wait3A_454 = tpu.memref_squeeze %dma_wait3A_453 : memref<1x64xi32, #tpu.memory_space<vmem>> -> memref<64xi32, #tpu.memory_space<vmem>>
        %dma_wait3A_455 = arith.constant 0 : i32
        %dma_wait3A_456 = arith.constant 0 : i32
        %dma_wait3A_457 = tpu.memref_slice %arg2[%dma_wait3A_455, %dma_wait3A_456] : memref<100000x128xf32, #tpu.memory_space<hbm>> -> memref<100000x128xf32, #tpu.memory_space<hbm>>
        tpu.wait_indirect_dma semaphore(%arg23 : memref<!tpu.dma_semaphore, #tpu.memory_space<semaphore_mem>>) src(%dma_wait3A_457 : memref<100000x128xf32, #tpu.memory_space<hbm>>) dst(%arg9 : memref<64x128xf32, #tpu.memory_space<vmem>>)
        %dma_start3A_458 = arith.constant 0 : i32
        %dma_start3A_459 = arith.constant 0 : i32
        %dma_start3A_460 = tpu.memref_slice %arg4[%add3A, %add3A_250, %dma_start3A_458, %dma_start3A_459] : memref<32x100x64x128xf32, #tpu.memory_space<hbm>> -> memref<1x1x64x128xf32, #tpu.memory_space<hbm>>
        %dma_start3A_461 = tpu.memref_squeeze %dma_start3A_460 : memref<1x1x64x128xf32, #tpu.memory_space<hbm>> -> memref<64x128xf32, #tpu.memory_space<hbm>>
        %dma_start3A_462 = arith.constant 0 : i32
        %dma_start3A_463 = arith.constant 0 : i32
        %dma_start3A_464 = tpu.memref_slice %arg4[%add3A, %add3A_250, %dma_start3A_462, %dma_start3A_463] : memref<32x100x64x128xf32, #tpu.memory_space<hbm>> -> memref<1x1x64x128xf32, #tpu.memory_space<hbm>>
        %dma_start3A_465 = tpu.memref_squeeze %dma_start3A_464 : memref<1x1x64x128xf32, #tpu.memory_space<hbm>> -> memref<64x128xf32, #tpu.memory_space<hbm>>
        tpu.enqueue_dma source(%arg9 : memref<64x128xf32, #tpu.memory_space<vmem>>) target(%dma_start3A_465 : memref<64x128xf32, #tpu.memory_space<hbm>>) target_semaphore(%arg37 : memref<!tpu.dma_semaphore, #tpu.memory_space<semaphore_mem>>)
      } else {
      }
      %add3A_256 = arith.constant 4 : i32
      %add3A_257 = arith.addi %mul3A_230, %add3A_256 : i32
      %lt3A_258 = arith.constant 100 : i32
      %lt3A_259 = arith.cmpi slt, %add3A_257, %lt3A_258 : i32
      %convert_element_type3A_260 = arith.extui %lt3A_259 : i1 to i32
      %cond3A_261 = arith.constant 0 : i32
      %cond3A_262 = arith.cmpi ne, %convert_element_type3A_260, %cond3A_261 : i32
      scf.if %cond3A_262 {
        %dma_wait3A_452 = arith.constant 0 : i32
        %dma_wait3A_453 = tpu.memref_slice %arg5[%add3A_257, %dma_wait3A_452] : memref<100x64xi32, #tpu.memory_space<vmem>> -> memref<1x64xi32, #tpu.memory_space<vmem>>
        %dma_wait3A_454 = tpu.memref_squeeze %dma_wait3A_453 : memref<1x64xi32, #tpu.memory_space<vmem>> -> memref<64xi32, #tpu.memory_space<vmem>>
        %dma_wait3A_455 = arith.constant 0 : i32
        %dma_wait3A_456 = arith.constant 0 : i32
        %dma_wait3A_457 = tpu.memref_slice %arg2[%dma_wait3A_455, %dma_wait3A_456] : memref<100000x128xf32, #tpu.memory_space<hbm>> -> memref<100000x128xf32, #tpu.memory_space<hbm>>
        tpu.wait_indirect_dma semaphore(%arg24 : memref<!tpu.dma_semaphore, #tpu.memory_space<semaphore_mem>>) src(%dma_wait3A_457 : memref<100000x128xf32, #tpu.memory_space<hbm>>) dst(%arg10 : memref<64x128xf32, #tpu.memory_space<vmem>>)
        %dma_start3A_458 = arith.constant 0 : i32
        %dma_start3A_459 = arith.constant 0 : i32
        %dma_start3A_460 = tpu.memref_slice %arg4[%add3A, %add3A_257, %dma_start3A_458, %dma_start3A_459] : memref<32x100x64x128xf32, #tpu.memory_space<hbm>> -> memref<1x1x64x128xf32, #tpu.memory_space<hbm>>
        %dma_start3A_461 = tpu.memref_squeeze %dma_start3A_460 : memref<1x1x64x128xf32, #tpu.memory_space<hbm>> -> memref<64x128xf32, #tpu.memory_space<hbm>>
        %dma_start3A_462 = arith.constant 0 : i32
        %dma_start3A_463 = arith.constant 0 : i32
        %dma_start3A_464 = tpu.memref_slice %arg4[%add3A, %add3A_257, %dma_start3A_462, %dma_start3A_463] : memref<32x100x64x128xf32, #tpu.memory_space<hbm>> -> memref<1x1x64x128xf32, #tpu.memory_space<hbm>>
        %dma_start3A_465 = tpu.memref_squeeze %dma_start3A_464 : memref<1x1x64x128xf32, #tpu.memory_space<hbm>> -> memref<64x128xf32, #tpu.memory_space<hbm>>
        tpu.enqueue_dma source(%arg10 : memref<64x128xf32, #tpu.memory_space<vmem>>) target(%dma_start3A_465 : memref<64x128xf32, #tpu.memory_space<hbm>>) target_semaphore(%arg38 : memref<!tpu.dma_semaphore, #tpu.memory_space<semaphore_mem>>)
      } else {
      }
      %add3A_263 = arith.constant 5 : i32
      %add3A_264 = arith.addi %mul3A_230, %add3A_263 : i32
      %lt3A_265 = arith.constant 100 : i32
      %lt3A_266 = arith.cmpi slt, %add3A_264, %lt3A_265 : i32
      %convert_element_type3A_267 = arith.extui %lt3A_266 : i1 to i32
      %cond3A_268 = arith.constant 0 : i32
      %cond3A_269 = arith.cmpi ne, %convert_element_type3A_267, %cond3A_268 : i32
      scf.if %cond3A_269 {
        %dma_wait3A_452 = arith.constant 0 : i32
        %dma_wait3A_453 = tpu.memref_slice %arg5[%add3A_264, %dma_wait3A_452] : memref<100x64xi32, #tpu.memory_space<vmem>> -> memref<1x64xi32, #tpu.memory_space<vmem>>
        %dma_wait3A_454 = tpu.memref_squeeze %dma_wait3A_453 : memref<1x64xi32, #tpu.memory_space<vmem>> -> memref<64xi32, #tpu.memory_space<vmem>>
        %dma_wait3A_455 = arith.constant 0 : i32
        %dma_wait3A_456 = arith.constant 0 : i32
        %dma_wait3A_457 = tpu.memref_slice %arg2[%dma_wait3A_455, %dma_wait3A_456] : memref<100000x128xf32, #tpu.memory_space<hbm>> -> memref<100000x128xf32, #tpu.memory_space<hbm>>
        tpu.wait_indirect_dma semaphore(%arg25 : memref<!tpu.dma_semaphore, #tpu.memory_space<semaphore_mem>>) src(%dma_wait3A_457 : memref<100000x128xf32, #tpu.memory_space<hbm>>) dst(%arg11 : memref<64x128xf32, #tpu.memory_space<vmem>>)
        %dma_start3A_458 = arith.constant 0 : i32
        %dma_start3A_459 = arith.constant 0 : i32
        %dma_start3A_460 = tpu.memref_slice %arg4[%add3A, %add3A_264, %dma_start3A_458, %dma_start3A_459] : memref<32x100x64x128xf32, #tpu.memory_space<hbm>> -> memref<1x1x64x128xf32, #tpu.memory_space<hbm>>
        %dma_start3A_461 = tpu.memref_squeeze %dma_start3A_460 : memref<1x1x64x128xf32, #tpu.memory_space<hbm>> -> memref<64x128xf32, #tpu.memory_space<hbm>>
        %dma_start3A_462 = arith.constant 0 : i32
        %dma_start3A_463 = arith.constant 0 : i32
        %dma_start3A_464 = tpu.memref_slice %arg4[%add3A, %add3A_264, %dma_start3A_462, %dma_start3A_463] : memref<32x100x64x128xf32, #tpu.memory_space<hbm>> -> memref<1x1x64x128xf32, #tpu.memory_space<hbm>>
        %dma_start3A_465 = tpu.memref_squeeze %dma_start3A_464 : memref<1x1x64x128xf32, #tpu.memory_space<hbm>> -> memref<64x128xf32, #tpu.memory_space<hbm>>
        tpu.enqueue_dma source(%arg11 : memref<64x128xf32, #tpu.memory_space<vmem>>) target(%dma_start3A_465 : memref<64x128xf32, #tpu.memory_space<hbm>>) target_semaphore(%arg39 : memref<!tpu.dma_semaphore, #tpu.memory_space<semaphore_mem>>)
      } else {
      }
      %add3A_270 = arith.constant 6 : i32
      %add3A_271 = arith.addi %mul3A_230, %add3A_270 : i32
      %lt3A_272 = arith.constant 100 : i32
      %lt3A_273 = arith.cmpi slt, %add3A_271, %lt3A_272 : i32
      %convert_element_type3A_274 = arith.extui %lt3A_273 : i1 to i32
      %cond3A_275 = arith.constant 0 : i32
      %cond3A_276 = arith.cmpi ne, %convert_element_type3A_274, %cond3A_275 : i32
      scf.if %cond3A_276 {
        %dma_wait3A_452 = arith.constant 0 : i32
        %dma_wait3A_453 = tpu.memref_slice %arg5[%add3A_271, %dma_wait3A_452] : memref<100x64xi32, #tpu.memory_space<vmem>> -> memref<1x64xi32, #tpu.memory_space<vmem>>
        %dma_wait3A_454 = tpu.memref_squeeze %dma_wait3A_453 : memref<1x64xi32, #tpu.memory_space<vmem>> -> memref<64xi32, #tpu.memory_space<vmem>>
        %dma_wait3A_455 = arith.constant 0 : i32
        %dma_wait3A_456 = arith.constant 0 : i32
        %dma_wait3A_457 = tpu.memref_slice %arg2[%dma_wait3A_455, %dma_wait3A_456] : memref<100000x128xf32, #tpu.memory_space<hbm>> -> memref<100000x128xf32, #tpu.memory_space<hbm>>
        tpu.wait_indirect_dma semaphore(%arg26 : memref<!tpu.dma_semaphore, #tpu.memory_space<semaphore_mem>>) src(%dma_wait3A_457 : memref<100000x128xf32, #tpu.memory_space<hbm>>) dst(%arg12 : memref<64x128xf32, #tpu.memory_space<vmem>>)
        %dma_start3A_458 = arith.constant 0 : i32
        %dma_start3A_459 = arith.constant 0 : i32
        %dma_start3A_460 = tpu.memref_slice %arg4[%add3A, %add3A_271, %dma_start3A_458, %dma_start3A_459] : memref<32x100x64x128xf32, #tpu.memory_space<hbm>> -> memref<1x1x64x128xf32, #tpu.memory_space<hbm>>
        %dma_start3A_461 = tpu.memref_squeeze %dma_start3A_460 : memref<1x1x64x128xf32, #tpu.memory_space<hbm>> -> memref<64x128xf32, #tpu.memory_space<hbm>>
        %dma_start3A_462 = arith.constant 0 : i32
        %dma_start3A_463 = arith.constant 0 : i32
        %dma_start3A_464 = tpu.memref_slice %arg4[%add3A, %add3A_271, %dma_start3A_462, %dma_start3A_463] : memref<32x100x64x128xf32, #tpu.memory_space<hbm>> -> memref<1x1x64x128xf32, #tpu.memory_space<hbm>>
        %dma_start3A_465 = tpu.memref_squeeze %dma_start3A_464 : memref<1x1x64x128xf32, #tpu.memory_space<hbm>> -> memref<64x128xf32, #tpu.memory_space<hbm>>
        tpu.enqueue_dma source(%arg12 : memref<64x128xf32, #tpu.memory_space<vmem>>) target(%dma_start3A_465 : memref<64x128xf32, #tpu.memory_space<hbm>>) target_semaphore(%arg40 : memref<!tpu.dma_semaphore, #tpu.memory_space<semaphore_mem>>)
      } else {
      }
      %add3A_277 = arith.constant 7 : i32
      %add3A_278 = arith.addi %mul3A_230, %add3A_277 : i32
      %lt3A_279 = arith.constant 100 : i32
      %lt3A_280 = arith.cmpi slt, %add3A_278, %lt3A_279 : i32
      %convert_element_type3A_281 = arith.extui %lt3A_280 : i1 to i32
      %cond3A_282 = arith.constant 0 : i32
      %cond3A_283 = arith.cmpi ne, %convert_element_type3A_281, %cond3A_282 : i32
      scf.if %cond3A_283 {
        %dma_wait3A_452 = arith.constant 0 : i32
        %dma_wait3A_453 = tpu.memref_slice %arg5[%add3A_278, %dma_wait3A_452] : memref<100x64xi32, #tpu.memory_space<vmem>> -> memref<1x64xi32, #tpu.memory_space<vmem>>
        %dma_wait3A_454 = tpu.memref_squeeze %dma_wait3A_453 : memref<1x64xi32, #tpu.memory_space<vmem>> -> memref<64xi32, #tpu.memory_space<vmem>>
        %dma_wait3A_455 = arith.constant 0 : i32
        %dma_wait3A_456 = arith.constant 0 : i32
        %dma_wait3A_457 = tpu.memref_slice %arg2[%dma_wait3A_455, %dma_wait3A_456] : memref<100000x128xf32, #tpu.memory_space<hbm>> -> memref<100000x128xf32, #tpu.memory_space<hbm>>
        tpu.wait_indirect_dma semaphore(%arg27 : memref<!tpu.dma_semaphore, #tpu.memory_space<semaphore_mem>>) src(%dma_wait3A_457 : memref<100000x128xf32, #tpu.memory_space<hbm>>) dst(%arg13 : memref<64x128xf32, #tpu.memory_space<vmem>>)
        %dma_start3A_458 = arith.constant 0 : i32
        %dma_start3A_459 = arith.constant 0 : i32
        %dma_start3A_460 = tpu.memref_slice %arg4[%add3A, %add3A_278, %dma_start3A_458, %dma_start3A_459] : memref<32x100x64x128xf32, #tpu.memory_space<hbm>> -> memref<1x1x64x128xf32, #tpu.memory_space<hbm>>
        %dma_start3A_461 = tpu.memref_squeeze %dma_start3A_460 : memref<1x1x64x128xf32, #tpu.memory_space<hbm>> -> memref<64x128xf32, #tpu.memory_space<hbm>>
        %dma_start3A_462 = arith.constant 0 : i32
        %dma_start3A_463 = arith.constant 0 : i32
        %dma_start3A_464 = tpu.memref_slice %arg4[%add3A, %add3A_278, %dma_start3A_462, %dma_start3A_463] : memref<32x100x64x128xf32, #tpu.memory_space<hbm>> -> memref<1x1x64x128xf32, #tpu.memory_space<hbm>>
        %dma_start3A_465 = tpu.memref_squeeze %dma_start3A_464 : memref<1x1x64x128xf32, #tpu.memory_space<hbm>> -> memref<64x128xf32, #tpu.memory_space<hbm>>
        tpu.enqueue_dma source(%arg13 : memref<64x128xf32, #tpu.memory_space<vmem>>) target(%dma_start3A_465 : memref<64x128xf32, #tpu.memory_space<hbm>>) target_semaphore(%arg41 : memref<!tpu.dma_semaphore, #tpu.memory_space<semaphore_mem>>)
      } else {
      }
      %add3A_284 = arith.constant 8 : i32
      %add3A_285 = arith.addi %mul3A_230, %add3A_284 : i32
      %lt3A_286 = arith.constant 100 : i32
      %lt3A_287 = arith.cmpi slt, %add3A_285, %lt3A_286 : i32
      %convert_element_type3A_288 = arith.extui %lt3A_287 : i1 to i32
      %cond3A_289 = arith.constant 0 : i32
      %cond3A_290 = arith.cmpi ne, %convert_element_type3A_288, %cond3A_289 : i32
      scf.if %cond3A_290 {
        %dma_wait3A_452 = arith.constant 0 : i32
        %dma_wait3A_453 = tpu.memref_slice %arg5[%add3A_285, %dma_wait3A_452] : memref<100x64xi32, #tpu.memory_space<vmem>> -> memref<1x64xi32, #tpu.memory_space<vmem>>
        %dma_wait3A_454 = tpu.memref_squeeze %dma_wait3A_453 : memref<1x64xi32, #tpu.memory_space<vmem>> -> memref<64xi32, #tpu.memory_space<vmem>>
        %dma_wait3A_455 = arith.constant 0 : i32
        %dma_wait3A_456 = arith.constant 0 : i32
        %dma_wait3A_457 = tpu.memref_slice %arg2[%dma_wait3A_455, %dma_wait3A_456] : memref<100000x128xf32, #tpu.memory_space<hbm>> -> memref<100000x128xf32, #tpu.memory_space<hbm>>
        tpu.wait_indirect_dma semaphore(%arg28 : memref<!tpu.dma_semaphore, #tpu.memory_space<semaphore_mem>>) src(%dma_wait3A_457 : memref<100000x128xf32, #tpu.memory_space<hbm>>) dst(%arg14 : memref<64x128xf32, #tpu.memory_space<vmem>>)
        %dma_start3A_458 = arith.constant 0 : i32
        %dma_start3A_459 = arith.constant 0 : i32
        %dma_start3A_460 = tpu.memref_slice %arg4[%add3A, %add3A_285, %dma_start3A_458, %dma_start3A_459] : memref<32x100x64x128xf32, #tpu.memory_space<hbm>> -> memref<1x1x64x128xf32, #tpu.memory_space<hbm>>
        %dma_start3A_461 = tpu.memref_squeeze %dma_start3A_460 : memref<1x1x64x128xf32, #tpu.memory_space<hbm>> -> memref<64x128xf32, #tpu.memory_space<hbm>>
        %dma_start3A_462 = arith.constant 0 : i32
        %dma_start3A_463 = arith.constant 0 : i32
        %dma_start3A_464 = tpu.memref_slice %arg4[%add3A, %add3A_285, %dma_start3A_462, %dma_start3A_463] : memref<32x100x64x128xf32, #tpu.memory_space<hbm>> -> memref<1x1x64x128xf32, #tpu.memory_space<hbm>>
        %dma_start3A_465 = tpu.memref_squeeze %dma_start3A_464 : memref<1x1x64x128xf32, #tpu.memory_space<hbm>> -> memref<64x128xf32, #tpu.memory_space<hbm>>
        tpu.enqueue_dma source(%arg14 : memref<64x128xf32, #tpu.memory_space<vmem>>) target(%dma_start3A_465 : memref<64x128xf32, #tpu.memory_space<hbm>>) target_semaphore(%arg42 : memref<!tpu.dma_semaphore, #tpu.memory_space<semaphore_mem>>)
      } else {
      }
      %add3A_291 = arith.constant 9 : i32
      %add3A_292 = arith.addi %mul3A_230, %add3A_291 : i32
      %lt3A_293 = arith.constant 100 : i32
      %lt3A_294 = arith.cmpi slt, %add3A_292, %lt3A_293 : i32
      %convert_element_type3A_295 = arith.extui %lt3A_294 : i1 to i32
      %cond3A_296 = arith.constant 0 : i32
      %cond3A_297 = arith.cmpi ne, %convert_element_type3A_295, %cond3A_296 : i32
      scf.if %cond3A_297 {
        %dma_wait3A_452 = arith.constant 0 : i32
        %dma_wait3A_453 = tpu.memref_slice %arg5[%add3A_292, %dma_wait3A_452] : memref<100x64xi32, #tpu.memory_space<vmem>> -> memref<1x64xi32, #tpu.memory_space<vmem>>
        %dma_wait3A_454 = tpu.memref_squeeze %dma_wait3A_453 : memref<1x64xi32, #tpu.memory_space<vmem>> -> memref<64xi32, #tpu.memory_space<vmem>>
        %dma_wait3A_455 = arith.constant 0 : i32
        %dma_wait3A_456 = arith.constant 0 : i32
        %dma_wait3A_457 = tpu.memref_slice %arg2[%dma_wait3A_455, %dma_wait3A_456] : memref<100000x128xf32, #tpu.memory_space<hbm>> -> memref<100000x128xf32, #tpu.memory_space<hbm>>
        tpu.wait_indirect_dma semaphore(%arg29 : memref<!tpu.dma_semaphore, #tpu.memory_space<semaphore_mem>>) src(%dma_wait3A_457 : memref<100000x128xf32, #tpu.memory_space<hbm>>) dst(%arg15 : memref<64x128xf32, #tpu.memory_space<vmem>>)
        %dma_start3A_458 = arith.constant 0 : i32
        %dma_start3A_459 = arith.constant 0 : i32
        %dma_start3A_460 = tpu.memref_slice %arg4[%add3A, %add3A_292, %dma_start3A_458, %dma_start3A_459] : memref<32x100x64x128xf32, #tpu.memory_space<hbm>> -> memref<1x1x64x128xf32, #tpu.memory_space<hbm>>
        %dma_start3A_461 = tpu.memref_squeeze %dma_start3A_460 : memref<1x1x64x128xf32, #tpu.memory_space<hbm>> -> memref<64x128xf32, #tpu.memory_space<hbm>>
        %dma_start3A_462 = arith.constant 0 : i32
        %dma_start3A_463 = arith.constant 0 : i32
        %dma_start3A_464 = tpu.memref_slice %arg4[%add3A, %add3A_292, %dma_start3A_462, %dma_start3A_463] : memref<32x100x64x128xf32, #tpu.memory_space<hbm>> -> memref<1x1x64x128xf32, #tpu.memory_space<hbm>>
        %dma_start3A_465 = tpu.memref_squeeze %dma_start3A_464 : memref<1x1x64x128xf32, #tpu.memory_space<hbm>> -> memref<64x128xf32, #tpu.memory_space<hbm>>
        tpu.enqueue_dma source(%arg15 : memref<64x128xf32, #tpu.memory_space<vmem>>) target(%dma_start3A_465 : memref<64x128xf32, #tpu.memory_space<hbm>>) target_semaphore(%arg43 : memref<!tpu.dma_semaphore, #tpu.memory_space<semaphore_mem>>)
      } else {
      }
      %add3A_298 = arith.constant 10 : i32
      %add3A_299 = arith.addi %mul3A_230, %add3A_298 : i32
      %lt3A_300 = arith.constant 100 : i32
      %lt3A_301 = arith.cmpi slt, %add3A_299, %lt3A_300 : i32
      %convert_element_type3A_302 = arith.extui %lt3A_301 : i1 to i32
      %cond3A_303 = arith.constant 0 : i32
      %cond3A_304 = arith.cmpi ne, %convert_element_type3A_302, %cond3A_303 : i32
      scf.if %cond3A_304 {
        %dma_wait3A_452 = arith.constant 0 : i32
        %dma_wait3A_453 = tpu.memref_slice %arg5[%add3A_299, %dma_wait3A_452] : memref<100x64xi32, #tpu.memory_space<vmem>> -> memref<1x64xi32, #tpu.memory_space<vmem>>
        %dma_wait3A_454 = tpu.memref_squeeze %dma_wait3A_453 : memref<1x64xi32, #tpu.memory_space<vmem>> -> memref<64xi32, #tpu.memory_space<vmem>>
        %dma_wait3A_455 = arith.constant 0 : i32
        %dma_wait3A_456 = arith.constant 0 : i32
        %dma_wait3A_457 = tpu.memref_slice %arg2[%dma_wait3A_455, %dma_wait3A_456] : memref<100000x128xf32, #tpu.memory_space<hbm>> -> memref<100000x128xf32, #tpu.memory_space<hbm>>
        tpu.wait_indirect_dma semaphore(%arg30 : memref<!tpu.dma_semaphore, #tpu.memory_space<semaphore_mem>>) src(%dma_wait3A_457 : memref<100000x128xf32, #tpu.memory_space<hbm>>) dst(%arg16 : memref<64x128xf32, #tpu.memory_space<vmem>>)
        %dma_start3A_458 = arith.constant 0 : i32
        %dma_start3A_459 = arith.constant 0 : i32
        %dma_start3A_460 = tpu.memref_slice %arg4[%add3A, %add3A_299, %dma_start3A_458, %dma_start3A_459] : memref<32x100x64x128xf32, #tpu.memory_space<hbm>> -> memref<1x1x64x128xf32, #tpu.memory_space<hbm>>
        %dma_start3A_461 = tpu.memref_squeeze %dma_start3A_460 : memref<1x1x64x128xf32, #tpu.memory_space<hbm>> -> memref<64x128xf32, #tpu.memory_space<hbm>>
        %dma_start3A_462 = arith.constant 0 : i32
        %dma_start3A_463 = arith.constant 0 : i32
        %dma_start3A_464 = tpu.memref_slice %arg4[%add3A, %add3A_299, %dma_start3A_462, %dma_start3A_463] : memref<32x100x64x128xf32, #tpu.memory_space<hbm>> -> memref<1x1x64x128xf32, #tpu.memory_space<hbm>>
        %dma_start3A_465 = tpu.memref_squeeze %dma_start3A_464 : memref<1x1x64x128xf32, #tpu.memory_space<hbm>> -> memref<64x128xf32, #tpu.memory_space<hbm>>
        tpu.enqueue_dma source(%arg16 : memref<64x128xf32, #tpu.memory_space<vmem>>) target(%dma_start3A_465 : memref<64x128xf32, #tpu.memory_space<hbm>>) target_semaphore(%arg44 : memref<!tpu.dma_semaphore, #tpu.memory_space<semaphore_mem>>)
      } else {
      }
      %add3A_305 = arith.constant 11 : i32
      %add3A_306 = arith.addi %mul3A_230, %add3A_305 : i32
      %lt3A_307 = arith.constant 100 : i32
      %lt3A_308 = arith.cmpi slt, %add3A_306, %lt3A_307 : i32
      %convert_element_type3A_309 = arith.extui %lt3A_308 : i1 to i32
      %cond3A_310 = arith.constant 0 : i32
      %cond3A_311 = arith.cmpi ne, %convert_element_type3A_309, %cond3A_310 : i32
      scf.if %cond3A_311 {
        %dma_wait3A_452 = arith.constant 0 : i32
        %dma_wait3A_453 = tpu.memref_slice %arg5[%add3A_306, %dma_wait3A_452] : memref<100x64xi32, #tpu.memory_space<vmem>> -> memref<1x64xi32, #tpu.memory_space<vmem>>
        %dma_wait3A_454 = tpu.memref_squeeze %dma_wait3A_453 : memref<1x64xi32, #tpu.memory_space<vmem>> -> memref<64xi32, #tpu.memory_space<vmem>>
        %dma_wait3A_455 = arith.constant 0 : i32
        %dma_wait3A_456 = arith.constant 0 : i32
        %dma_wait3A_457 = tpu.memref_slice %arg2[%dma_wait3A_455, %dma_wait3A_456] : memref<100000x128xf32, #tpu.memory_space<hbm>> -> memref<100000x128xf32, #tpu.memory_space<hbm>>
        tpu.wait_indirect_dma semaphore(%arg31 : memref<!tpu.dma_semaphore, #tpu.memory_space<semaphore_mem>>) src(%dma_wait3A_457 : memref<100000x128xf32, #tpu.memory_space<hbm>>) dst(%arg17 : memref<64x128xf32, #tpu.memory_space<vmem>>)
        %dma_start3A_458 = arith.constant 0 : i32
        %dma_start3A_459 = arith.constant 0 : i32
        %dma_start3A_460 = tpu.memref_slice %arg4[%add3A, %add3A_306, %dma_start3A_458, %dma_start3A_459] : memref<32x100x64x128xf32, #tpu.memory_space<hbm>> -> memref<1x1x64x128xf32, #tpu.memory_space<hbm>>
        %dma_start3A_461 = tpu.memref_squeeze %dma_start3A_460 : memref<1x1x64x128xf32, #tpu.memory_space<hbm>> -> memref<64x128xf32, #tpu.memory_space<hbm>>
        %dma_start3A_462 = arith.constant 0 : i32
        %dma_start3A_463 = arith.constant 0 : i32
        %dma_start3A_464 = tpu.memref_slice %arg4[%add3A, %add3A_306, %dma_start3A_462, %dma_start3A_463] : memref<32x100x64x128xf32, #tpu.memory_space<hbm>> -> memref<1x1x64x128xf32, #tpu.memory_space<hbm>>
        %dma_start3A_465 = tpu.memref_squeeze %dma_start3A_464 : memref<1x1x64x128xf32, #tpu.memory_space<hbm>> -> memref<64x128xf32, #tpu.memory_space<hbm>>
        tpu.enqueue_dma source(%arg17 : memref<64x128xf32, #tpu.memory_space<vmem>>) target(%dma_start3A_465 : memref<64x128xf32, #tpu.memory_space<hbm>>) target_semaphore(%arg45 : memref<!tpu.dma_semaphore, #tpu.memory_space<semaphore_mem>>)
      } else {
      }
      %add3A_312 = arith.constant 12 : i32
      %add3A_313 = arith.addi %mul3A_230, %add3A_312 : i32
      %lt3A_314 = arith.constant 100 : i32
      %lt3A_315 = arith.cmpi slt, %add3A_313, %lt3A_314 : i32
      %convert_element_type3A_316 = arith.extui %lt3A_315 : i1 to i32
      %cond3A_317 = arith.constant 0 : i32
      %cond3A_318 = arith.cmpi ne, %convert_element_type3A_316, %cond3A_317 : i32
      scf.if %cond3A_318 {
        %dma_wait3A_452 = arith.constant 0 : i32
        %dma_wait3A_453 = tpu.memref_slice %arg5[%add3A_313, %dma_wait3A_452] : memref<100x64xi32, #tpu.memory_space<vmem>> -> memref<1x64xi32, #tpu.memory_space<vmem>>
        %dma_wait3A_454 = tpu.memref_squeeze %dma_wait3A_453 : memref<1x64xi32, #tpu.memory_space<vmem>> -> memref<64xi32, #tpu.memory_space<vmem>>
        %dma_wait3A_455 = arith.constant 0 : i32
        %dma_wait3A_456 = arith.constant 0 : i32
        %dma_wait3A_457 = tpu.memref_slice %arg2[%dma_wait3A_455, %dma_wait3A_456] : memref<100000x128xf32, #tpu.memory_space<hbm>> -> memref<100000x128xf32, #tpu.memory_space<hbm>>
        tpu.wait_indirect_dma semaphore(%arg32 : memref<!tpu.dma_semaphore, #tpu.memory_space<semaphore_mem>>) src(%dma_wait3A_457 : memref<100000x128xf32, #tpu.memory_space<hbm>>) dst(%arg18 : memref<64x128xf32, #tpu.memory_space<vmem>>)
        %dma_start3A_458 = arith.constant 0 : i32
        %dma_start3A_459 = arith.constant 0 : i32
        %dma_start3A_460 = tpu.memref_slice %arg4[%add3A, %add3A_313, %dma_start3A_458, %dma_start3A_459] : memref<32x100x64x128xf32, #tpu.memory_space<hbm>> -> memref<1x1x64x128xf32, #tpu.memory_space<hbm>>
        %dma_start3A_461 = tpu.memref_squeeze %dma_start3A_460 : memref<1x1x64x128xf32, #tpu.memory_space<hbm>> -> memref<64x128xf32, #tpu.memory_space<hbm>>
        %dma_start3A_462 = arith.constant 0 : i32
        %dma_start3A_463 = arith.constant 0 : i32
        %dma_start3A_464 = tpu.memref_slice %arg4[%add3A, %add3A_313, %dma_start3A_462, %dma_start3A_463] : memref<32x100x64x128xf32, #tpu.memory_space<hbm>> -> memref<1x1x64x128xf32, #tpu.memory_space<hbm>>
        %dma_start3A_465 = tpu.memref_squeeze %dma_start3A_464 : memref<1x1x64x128xf32, #tpu.memory_space<hbm>> -> memref<64x128xf32, #tpu.memory_space<hbm>>
        tpu.enqueue_dma source(%arg18 : memref<64x128xf32, #tpu.memory_space<vmem>>) target(%dma_start3A_465 : memref<64x128xf32, #tpu.memory_space<hbm>>) target_semaphore(%arg46 : memref<!tpu.dma_semaphore, #tpu.memory_space<semaphore_mem>>)
      } else {
      }
      %add3A_319 = arith.constant 13 : i32
      %add3A_320 = arith.addi %mul3A_230, %add3A_319 : i32
      %lt3A_321 = arith.constant 100 : i32
      %lt3A_322 = arith.cmpi slt, %add3A_320, %lt3A_321 : i32
      %convert_element_type3A_323 = arith.extui %lt3A_322 : i1 to i32
      %cond3A_324 = arith.constant 0 : i32
      %cond3A_325 = arith.cmpi ne, %convert_element_type3A_323, %cond3A_324 : i32
      scf.if %cond3A_325 {
        %dma_wait3A_452 = arith.constant 0 : i32
        %dma_wait3A_453 = tpu.memref_slice %arg5[%add3A_320, %dma_wait3A_452] : memref<100x64xi32, #tpu.memory_space<vmem>> -> memref<1x64xi32, #tpu.memory_space<vmem>>
        %dma_wait3A_454 = tpu.memref_squeeze %dma_wait3A_453 : memref<1x64xi32, #tpu.memory_space<vmem>> -> memref<64xi32, #tpu.memory_space<vmem>>
        %dma_wait3A_455 = arith.constant 0 : i32
        %dma_wait3A_456 = arith.constant 0 : i32
        %dma_wait3A_457 = tpu.memref_slice %arg2[%dma_wait3A_455, %dma_wait3A_456] : memref<100000x128xf32, #tpu.memory_space<hbm>> -> memref<100000x128xf32, #tpu.memory_space<hbm>>
        tpu.wait_indirect_dma semaphore(%arg33 : memref<!tpu.dma_semaphore, #tpu.memory_space<semaphore_mem>>) src(%dma_wait3A_457 : memref<100000x128xf32, #tpu.memory_space<hbm>>) dst(%arg19 : memref<64x128xf32, #tpu.memory_space<vmem>>)
        %dma_start3A_458 = arith.constant 0 : i32
        %dma_start3A_459 = arith.constant 0 : i32
        %dma_start3A_460 = tpu.memref_slice %arg4[%add3A, %add3A_320, %dma_start3A_458, %dma_start3A_459] : memref<32x100x64x128xf32, #tpu.memory_space<hbm>> -> memref<1x1x64x128xf32, #tpu.memory_space<hbm>>
        %dma_start3A_461 = tpu.memref_squeeze %dma_start3A_460 : memref<1x1x64x128xf32, #tpu.memory_space<hbm>> -> memref<64x128xf32, #tpu.memory_space<hbm>>
        %dma_start3A_462 = arith.constant 0 : i32
        %dma_start3A_463 = arith.constant 0 : i32
        %dma_start3A_464 = tpu.memref_slice %arg4[%add3A, %add3A_320, %dma_start3A_462, %dma_start3A_463] : memref<32x100x64x128xf32, #tpu.memory_space<hbm>> -> memref<1x1x64x128xf32, #tpu.memory_space<hbm>>
        %dma_start3A_465 = tpu.memref_squeeze %dma_start3A_464 : memref<1x1x64x128xf32, #tpu.memory_space<hbm>> -> memref<64x128xf32, #tpu.memory_space<hbm>>
        tpu.enqueue_dma source(%arg19 : memref<64x128xf32, #tpu.memory_space<vmem>>) target(%dma_start3A_465 : memref<64x128xf32, #tpu.memory_space<hbm>>) target_semaphore(%arg47 : memref<!tpu.dma_semaphore, #tpu.memory_space<semaphore_mem>>)
      } else {
      }
      %add3A_326 = arith.constant 0 : i32
      %add3A_327 = arith.addi %mul3A_230, %add3A_326 : i32
      %add3A_328 = arith.constant 14 : i32
      %add3A_329 = arith.addi %add3A_327, %add3A_328 : i32
      %lt3A_330 = arith.constant 100 : i32
      %lt3A_331 = arith.cmpi slt, %add3A_329, %lt3A_330 : i32
      %convert_element_type3A_332 = arith.extui %lt3A_331 : i1 to i32
      %cond3A_333 = arith.constant 0 : i32
      %cond3A_334 = arith.cmpi ne, %convert_element_type3A_332, %cond3A_333 : i32
      scf.if %cond3A_334 {
        %dma_wait3A_452 = arith.constant 0 : i32
        %dma_wait3A_453 = arith.constant 0 : i32
        %dma_wait3A_454 = arith.constant 0 : i32
        %dma_wait3A_455 = tpu.memref_slice %arg4[%add3A, %dma_wait3A_452, %dma_wait3A_453, %dma_wait3A_454] : memref<32x100x64x128xf32, #tpu.memory_space<hbm>> -> memref<1x1x64x128xf32, #tpu.memory_space<hbm>>
        %dma_wait3A_456 = tpu.memref_squeeze %dma_wait3A_455 : memref<1x1x64x128xf32, #tpu.memory_space<hbm>> -> memref<64x128xf32, #tpu.memory_space<hbm>>
        %dma_wait3A_457 = arith.constant 0 : i32
        %dma_wait3A_458 = arith.constant 0 : i32
        %dma_wait3A_459 = tpu.memref_slice %arg4[%add3A, %dma_wait3A_452, %dma_wait3A_457, %dma_wait3A_458] : memref<32x100x64x128xf32, #tpu.memory_space<hbm>> -> memref<1x1x64x128xf32, #tpu.memory_space<hbm>>
        %dma_wait3A_460 = tpu.memref_squeeze %dma_wait3A_459 : memref<1x1x64x128xf32, #tpu.memory_space<hbm>> -> memref<64x128xf32, #tpu.memory_space<hbm>>
        tpu.wait_dma2 semaphore(%arg34 : memref<!tpu.dma_semaphore, #tpu.memory_space<semaphore_mem>>) src(%arg6 : memref<64x128xf32, #tpu.memory_space<vmem>>) dst(%dma_wait3A_460 : memref<64x128xf32, #tpu.memory_space<hbm>>)
        %dma_start3A_461 = arith.constant 0 : i32
        %dma_start3A_462 = tpu.memref_slice %arg5[%add3A_329, %dma_start3A_461] : memref<100x64xi32, #tpu.memory_space<vmem>> -> memref<1x64xi32, #tpu.memory_space<vmem>>
        %dma_start3A_463 = tpu.memref_squeeze %dma_start3A_462 : memref<1x64xi32, #tpu.memory_space<vmem>> -> memref<64xi32, #tpu.memory_space<vmem>>
        %dma_start3A_464 = arith.constant 0 : i32
        %dma_start3A_465 = arith.constant 0 : i32
        %dma_start3A_466 = tpu.memref_slice %arg2[%dma_start3A_464, %dma_start3A_465] : memref<100000x128xf32, #tpu.memory_space<hbm>> -> memref<100000x128xf32, #tpu.memory_space<hbm>>
        tpu.enqueue_indirect_dma source(%dma_start3A_466 : memref<100000x128xf32, #tpu.memory_space<hbm>>) target(%arg6 : memref<64x128xf32, #tpu.memory_space<vmem>>) offsets(%dma_start3A_463 : memref<64xi32, #tpu.memory_space<vmem>>) semaphore(%arg20 : memref<!tpu.dma_semaphore, #tpu.memory_space<semaphore_mem>>)
      } else {
      }
      %add3A_335 = arith.constant 1 : i32
      %add3A_336 = arith.addi %mul3A_230, %add3A_335 : i32
      %add3A_337 = arith.constant 14 : i32
      %add3A_338 = arith.addi %add3A_336, %add3A_337 : i32
      %lt3A_339 = arith.constant 100 : i32
      %lt3A_340 = arith.cmpi slt, %add3A_338, %lt3A_339 : i32
      %convert_element_type3A_341 = arith.extui %lt3A_340 : i1 to i32
      %cond3A_342 = arith.constant 0 : i32
      %cond3A_343 = arith.cmpi ne, %convert_element_type3A_341, %cond3A_342 : i32
      scf.if %cond3A_343 {
        %dma_wait3A_452 = arith.constant 0 : i32
        %dma_wait3A_453 = arith.constant 0 : i32
        %dma_wait3A_454 = arith.constant 0 : i32
        %dma_wait3A_455 = tpu.memref_slice %arg4[%add3A, %dma_wait3A_452, %dma_wait3A_453, %dma_wait3A_454] : memref<32x100x64x128xf32, #tpu.memory_space<hbm>> -> memref<1x1x64x128xf32, #tpu.memory_space<hbm>>
        %dma_wait3A_456 = tpu.memref_squeeze %dma_wait3A_455 : memref<1x1x64x128xf32, #tpu.memory_space<hbm>> -> memref<64x128xf32, #tpu.memory_space<hbm>>
        %dma_wait3A_457 = arith.constant 0 : i32
        %dma_wait3A_458 = arith.constant 0 : i32
        %dma_wait3A_459 = tpu.memref_slice %arg4[%add3A, %dma_wait3A_452, %dma_wait3A_457, %dma_wait3A_458] : memref<32x100x64x128xf32, #tpu.memory_space<hbm>> -> memref<1x1x64x128xf32, #tpu.memory_space<hbm>>
        %dma_wait3A_460 = tpu.memref_squeeze %dma_wait3A_459 : memref<1x1x64x128xf32, #tpu.memory_space<hbm>> -> memref<64x128xf32, #tpu.memory_space<hbm>>
        tpu.wait_dma2 semaphore(%arg35 : memref<!tpu.dma_semaphore, #tpu.memory_space<semaphore_mem>>) src(%arg7 : memref<64x128xf32, #tpu.memory_space<vmem>>) dst(%dma_wait3A_460 : memref<64x128xf32, #tpu.memory_space<hbm>>)
        %dma_start3A_461 = arith.constant 0 : i32
        %dma_start3A_462 = tpu.memref_slice %arg5[%add3A_338, %dma_start3A_461] : memref<100x64xi32, #tpu.memory_space<vmem>> -> memref<1x64xi32, #tpu.memory_space<vmem>>
        %dma_start3A_463 = tpu.memref_squeeze %dma_start3A_462 : memref<1x64xi32, #tpu.memory_space<vmem>> -> memref<64xi32, #tpu.memory_space<vmem>>
        %dma_start3A_464 = arith.constant 0 : i32
        %dma_start3A_465 = arith.constant 0 : i32
        %dma_start3A_466 = tpu.memref_slice %arg2[%dma_start3A_464, %dma_start3A_465] : memref<100000x128xf32, #tpu.memory_space<hbm>> -> memref<100000x128xf32, #tpu.memory_space<hbm>>
        tpu.enqueue_indirect_dma source(%dma_start3A_466 : memref<100000x128xf32, #tpu.memory_space<hbm>>) target(%arg7 : memref<64x128xf32, #tpu.memory_space<vmem>>) offsets(%dma_start3A_463 : memref<64xi32, #tpu.memory_space<vmem>>) semaphore(%arg21 : memref<!tpu.dma_semaphore, #tpu.memory_space<semaphore_mem>>)
      } else {
      }
      %add3A_344 = arith.constant 2 : i32
      %add3A_345 = arith.addi %mul3A_230, %add3A_344 : i32
      %add3A_346 = arith.constant 14 : i32
      %add3A_347 = arith.addi %add3A_345, %add3A_346 : i32
      %lt3A_348 = arith.constant 100 : i32
      %lt3A_349 = arith.cmpi slt, %add3A_347, %lt3A_348 : i32
      %convert_element_type3A_350 = arith.extui %lt3A_349 : i1 to i32
      %cond3A_351 = arith.constant 0 : i32
      %cond3A_352 = arith.cmpi ne, %convert_element_type3A_350, %cond3A_351 : i32
      scf.if %cond3A_352 {
        %dma_wait3A_452 = arith.constant 0 : i32
        %dma_wait3A_453 = arith.constant 0 : i32
        %dma_wait3A_454 = arith.constant 0 : i32
        %dma_wait3A_455 = tpu.memref_slice %arg4[%add3A, %dma_wait3A_452, %dma_wait3A_453, %dma_wait3A_454] : memref<32x100x64x128xf32, #tpu.memory_space<hbm>> -> memref<1x1x64x128xf32, #tpu.memory_space<hbm>>
        %dma_wait3A_456 = tpu.memref_squeeze %dma_wait3A_455 : memref<1x1x64x128xf32, #tpu.memory_space<hbm>> -> memref<64x128xf32, #tpu.memory_space<hbm>>
        %dma_wait3A_457 = arith.constant 0 : i32
        %dma_wait3A_458 = arith.constant 0 : i32
        %dma_wait3A_459 = tpu.memref_slice %arg4[%add3A, %dma_wait3A_452, %dma_wait3A_457, %dma_wait3A_458] : memref<32x100x64x128xf32, #tpu.memory_space<hbm>> -> memref<1x1x64x128xf32, #tpu.memory_space<hbm>>
        %dma_wait3A_460 = tpu.memref_squeeze %dma_wait3A_459 : memref<1x1x64x128xf32, #tpu.memory_space<hbm>> -> memref<64x128xf32, #tpu.memory_space<hbm>>
        tpu.wait_dma2 semaphore(%arg36 : memref<!tpu.dma_semaphore, #tpu.memory_space<semaphore_mem>>) src(%arg8 : memref<64x128xf32, #tpu.memory_space<vmem>>) dst(%dma_wait3A_460 : memref<64x128xf32, #tpu.memory_space<hbm>>)
        %dma_start3A_461 = arith.constant 0 : i32
        %dma_start3A_462 = tpu.memref_slice %arg5[%add3A_347, %dma_start3A_461] : memref<100x64xi32, #tpu.memory_space<vmem>> -> memref<1x64xi32, #tpu.memory_space<vmem>>
        %dma_start3A_463 = tpu.memref_squeeze %dma_start3A_462 : memref<1x64xi32, #tpu.memory_space<vmem>> -> memref<64xi32, #tpu.memory_space<vmem>>
        %dma_start3A_464 = arith.constant 0 : i32
        %dma_start3A_465 = arith.constant 0 : i32
        %dma_start3A_466 = tpu.memref_slice %arg2[%dma_start3A_464, %dma_start3A_465] : memref<100000x128xf32, #tpu.memory_space<hbm>> -> memref<100000x128xf32, #tpu.memory_space<hbm>>
        tpu.enqueue_indirect_dma source(%dma_start3A_466 : memref<100000x128xf32, #tpu.memory_space<hbm>>) target(%arg8 : memref<64x128xf32, #tpu.memory_space<vmem>>) offsets(%dma_start3A_463 : memref<64xi32, #tpu.memory_space<vmem>>) semaphore(%arg22 : memref<!tpu.dma_semaphore, #tpu.memory_space<semaphore_mem>>)
      } else {
      }
      %add3A_353 = arith.constant 3 : i32
      %add3A_354 = arith.addi %mul3A_230, %add3A_353 : i32
      %add3A_355 = arith.constant 14 : i32
      %add3A_356 = arith.addi %add3A_354, %add3A_355 : i32
      %lt3A_357 = arith.constant 100 : i32
      %lt3A_358 = arith.cmpi slt, %add3A_356, %lt3A_357 : i32
      %convert_element_type3A_359 = arith.extui %lt3A_358 : i1 to i32
      %cond3A_360 = arith.constant 0 : i32
      %cond3A_361 = arith.cmpi ne, %convert_element_type3A_359, %cond3A_360 : i32
      scf.if %cond3A_361 {
        %dma_wait3A_452 = arith.constant 0 : i32
        %dma_wait3A_453 = arith.constant 0 : i32
        %dma_wait3A_454 = arith.constant 0 : i32
        %dma_wait3A_455 = tpu.memref_slice %arg4[%add3A, %dma_wait3A_452, %dma_wait3A_453, %dma_wait3A_454] : memref<32x100x64x128xf32, #tpu.memory_space<hbm>> -> memref<1x1x64x128xf32, #tpu.memory_space<hbm>>
        %dma_wait3A_456 = tpu.memref_squeeze %dma_wait3A_455 : memref<1x1x64x128xf32, #tpu.memory_space<hbm>> -> memref<64x128xf32, #tpu.memory_space<hbm>>
        %dma_wait3A_457 = arith.constant 0 : i32
        %dma_wait3A_458 = arith.constant 0 : i32
        %dma_wait3A_459 = tpu.memref_slice %arg4[%add3A, %dma_wait3A_452, %dma_wait3A_457, %dma_wait3A_458] : memref<32x100x64x128xf32, #tpu.memory_space<hbm>> -> memref<1x1x64x128xf32, #tpu.memory_space<hbm>>
        %dma_wait3A_460 = tpu.memref_squeeze %dma_wait3A_459 : memref<1x1x64x128xf32, #tpu.memory_space<hbm>> -> memref<64x128xf32, #tpu.memory_space<hbm>>
        tpu.wait_dma2 semaphore(%arg37 : memref<!tpu.dma_semaphore, #tpu.memory_space<semaphore_mem>>) src(%arg9 : memref<64x128xf32, #tpu.memory_space<vmem>>) dst(%dma_wait3A_460 : memref<64x128xf32, #tpu.memory_space<hbm>>)
        %dma_start3A_461 = arith.constant 0 : i32
        %dma_start3A_462 = tpu.memref_slice %arg5[%add3A_356, %dma_start3A_461] : memref<100x64xi32, #tpu.memory_space<vmem>> -> memref<1x64xi32, #tpu.memory_space<vmem>>
        %dma_start3A_463 = tpu.memref_squeeze %dma_start3A_462 : memref<1x64xi32, #tpu.memory_space<vmem>> -> memref<64xi32, #tpu.memory_space<vmem>>
        %dma_start3A_464 = arith.constant 0 : i32
        %dma_start3A_465 = arith.constant 0 : i32
        %dma_start3A_466 = tpu.memref_slice %arg2[%dma_start3A_464, %dma_start3A_465] : memref<100000x128xf32, #tpu.memory_space<hbm>> -> memref<100000x128xf32, #tpu.memory_space<hbm>>
        tpu.enqueue_indirect_dma source(%dma_start3A_466 : memref<100000x128xf32, #tpu.memory_space<hbm>>) target(%arg9 : memref<64x128xf32, #tpu.memory_space<vmem>>) offsets(%dma_start3A_463 : memref<64xi32, #tpu.memory_space<vmem>>) semaphore(%arg23 : memref<!tpu.dma_semaphore, #tpu.memory_space<semaphore_mem>>)
      } else {
      }
      %add3A_362 = arith.constant 4 : i32
      %add3A_363 = arith.addi %mul3A_230, %add3A_362 : i32
      %add3A_364 = arith.constant 14 : i32
      %add3A_365 = arith.addi %add3A_363, %add3A_364 : i32
      %lt3A_366 = arith.constant 100 : i32
      %lt3A_367 = arith.cmpi slt, %add3A_365, %lt3A_366 : i32
      %convert_element_type3A_368 = arith.extui %lt3A_367 : i1 to i32
      %cond3A_369 = arith.constant 0 : i32
      %cond3A_370 = arith.cmpi ne, %convert_element_type3A_368, %cond3A_369 : i32
      scf.if %cond3A_370 {
        %dma_wait3A_452 = arith.constant 0 : i32
        %dma_wait3A_453 = arith.constant 0 : i32
        %dma_wait3A_454 = arith.constant 0 : i32
        %dma_wait3A_455 = tpu.memref_slice %arg4[%add3A, %dma_wait3A_452, %dma_wait3A_453, %dma_wait3A_454] : memref<32x100x64x128xf32, #tpu.memory_space<hbm>> -> memref<1x1x64x128xf32, #tpu.memory_space<hbm>>
        %dma_wait3A_456 = tpu.memref_squeeze %dma_wait3A_455 : memref<1x1x64x128xf32, #tpu.memory_space<hbm>> -> memref<64x128xf32, #tpu.memory_space<hbm>>
        %dma_wait3A_457 = arith.constant 0 : i32
        %dma_wait3A_458 = arith.constant 0 : i32
        %dma_wait3A_459 = tpu.memref_slice %arg4[%add3A, %dma_wait3A_452, %dma_wait3A_457, %dma_wait3A_458] : memref<32x100x64x128xf32, #tpu.memory_space<hbm>> -> memref<1x1x64x128xf32, #tpu.memory_space<hbm>>
        %dma_wait3A_460 = tpu.memref_squeeze %dma_wait3A_459 : memref<1x1x64x128xf32, #tpu.memory_space<hbm>> -> memref<64x128xf32, #tpu.memory_space<hbm>>
        tpu.wait_dma2 semaphore(%arg38 : memref<!tpu.dma_semaphore, #tpu.memory_space<semaphore_mem>>) src(%arg10 : memref<64x128xf32, #tpu.memory_space<vmem>>) dst(%dma_wait3A_460 : memref<64x128xf32, #tpu.memory_space<hbm>>)
        %dma_start3A_461 = arith.constant 0 : i32
        %dma_start3A_462 = tpu.memref_slice %arg5[%add3A_365, %dma_start3A_461] : memref<100x64xi32, #tpu.memory_space<vmem>> -> memref<1x64xi32, #tpu.memory_space<vmem>>
        %dma_start3A_463 = tpu.memref_squeeze %dma_start3A_462 : memref<1x64xi32, #tpu.memory_space<vmem>> -> memref<64xi32, #tpu.memory_space<vmem>>
        %dma_start3A_464 = arith.constant 0 : i32
        %dma_start3A_465 = arith.constant 0 : i32
        %dma_start3A_466 = tpu.memref_slice %arg2[%dma_start3A_464, %dma_start3A_465] : memref<100000x128xf32, #tpu.memory_space<hbm>> -> memref<100000x128xf32, #tpu.memory_space<hbm>>
        tpu.enqueue_indirect_dma source(%dma_start3A_466 : memref<100000x128xf32, #tpu.memory_space<hbm>>) target(%arg10 : memref<64x128xf32, #tpu.memory_space<vmem>>) offsets(%dma_start3A_463 : memref<64xi32, #tpu.memory_space<vmem>>) semaphore(%arg24 : memref<!tpu.dma_semaphore, #tpu.memory_space<semaphore_mem>>)
      } else {
      }
      %add3A_371 = arith.constant 5 : i32
      %add3A_372 = arith.addi %mul3A_230, %add3A_371 : i32
      %add3A_373 = arith.constant 14 : i32
      %add3A_374 = arith.addi %add3A_372, %add3A_373 : i32
      %lt3A_375 = arith.constant 100 : i32
      %lt3A_376 = arith.cmpi slt, %add3A_374, %lt3A_375 : i32
      %convert_element_type3A_377 = arith.extui %lt3A_376 : i1 to i32
      %cond3A_378 = arith.constant 0 : i32
      %cond3A_379 = arith.cmpi ne, %convert_element_type3A_377, %cond3A_378 : i32
      scf.if %cond3A_379 {
        %dma_wait3A_452 = arith.constant 0 : i32
        %dma_wait3A_453 = arith.constant 0 : i32
        %dma_wait3A_454 = arith.constant 0 : i32
        %dma_wait3A_455 = tpu.memref_slice %arg4[%add3A, %dma_wait3A_452, %dma_wait3A_453, %dma_wait3A_454] : memref<32x100x64x128xf32, #tpu.memory_space<hbm>> -> memref<1x1x64x128xf32, #tpu.memory_space<hbm>>
        %dma_wait3A_456 = tpu.memref_squeeze %dma_wait3A_455 : memref<1x1x64x128xf32, #tpu.memory_space<hbm>> -> memref<64x128xf32, #tpu.memory_space<hbm>>
        %dma_wait3A_457 = arith.constant 0 : i32
        %dma_wait3A_458 = arith.constant 0 : i32
        %dma_wait3A_459 = tpu.memref_slice %arg4[%add3A, %dma_wait3A_452, %dma_wait3A_457, %dma_wait3A_458] : memref<32x100x64x128xf32, #tpu.memory_space<hbm>> -> memref<1x1x64x128xf32, #tpu.memory_space<hbm>>
        %dma_wait3A_460 = tpu.memref_squeeze %dma_wait3A_459 : memref<1x1x64x128xf32, #tpu.memory_space<hbm>> -> memref<64x128xf32, #tpu.memory_space<hbm>>
        tpu.wait_dma2 semaphore(%arg39 : memref<!tpu.dma_semaphore, #tpu.memory_space<semaphore_mem>>) src(%arg11 : memref<64x128xf32, #tpu.memory_space<vmem>>) dst(%dma_wait3A_460 : memref<64x128xf32, #tpu.memory_space<hbm>>)
        %dma_start3A_461 = arith.constant 0 : i32
        %dma_start3A_462 = tpu.memref_slice %arg5[%add3A_374, %dma_start3A_461] : memref<100x64xi32, #tpu.memory_space<vmem>> -> memref<1x64xi32, #tpu.memory_space<vmem>>
        %dma_start3A_463 = tpu.memref_squeeze %dma_start3A_462 : memref<1x64xi32, #tpu.memory_space<vmem>> -> memref<64xi32, #tpu.memory_space<vmem>>
        %dma_start3A_464 = arith.constant 0 : i32
        %dma_start3A_465 = arith.constant 0 : i32
        %dma_start3A_466 = tpu.memref_slice %arg2[%dma_start3A_464, %dma_start3A_465] : memref<100000x128xf32, #tpu.memory_space<hbm>> -> memref<100000x128xf32, #tpu.memory_space<hbm>>
        tpu.enqueue_indirect_dma source(%dma_start3A_466 : memref<100000x128xf32, #tpu.memory_space<hbm>>) target(%arg11 : memref<64x128xf32, #tpu.memory_space<vmem>>) offsets(%dma_start3A_463 : memref<64xi32, #tpu.memory_space<vmem>>) semaphore(%arg25 : memref<!tpu.dma_semaphore, #tpu.memory_space<semaphore_mem>>)
      } else {
      }
      %add3A_380 = arith.constant 6 : i32
      %add3A_381 = arith.addi %mul3A_230, %add3A_380 : i32
      %add3A_382 = arith.constant 14 : i32
      %add3A_383 = arith.addi %add3A_381, %add3A_382 : i32
      %lt3A_384 = arith.constant 100 : i32
      %lt3A_385 = arith.cmpi slt, %add3A_383, %lt3A_384 : i32
      %convert_element_type3A_386 = arith.extui %lt3A_385 : i1 to i32
      %cond3A_387 = arith.constant 0 : i32
      %cond3A_388 = arith.cmpi ne, %convert_element_type3A_386, %cond3A_387 : i32
      scf.if %cond3A_388 {
        %dma_wait3A_452 = arith.constant 0 : i32
        %dma_wait3A_453 = arith.constant 0 : i32
        %dma_wait3A_454 = arith.constant 0 : i32
        %dma_wait3A_455 = tpu.memref_slice %arg4[%add3A, %dma_wait3A_452, %dma_wait3A_453, %dma_wait3A_454] : memref<32x100x64x128xf32, #tpu.memory_space<hbm>> -> memref<1x1x64x128xf32, #tpu.memory_space<hbm>>
        %dma_wait3A_456 = tpu.memref_squeeze %dma_wait3A_455 : memref<1x1x64x128xf32, #tpu.memory_space<hbm>> -> memref<64x128xf32, #tpu.memory_space<hbm>>
        %dma_wait3A_457 = arith.constant 0 : i32
        %dma_wait3A_458 = arith.constant 0 : i32
        %dma_wait3A_459 = tpu.memref_slice %arg4[%add3A, %dma_wait3A_452, %dma_wait3A_457, %dma_wait3A_458] : memref<32x100x64x128xf32, #tpu.memory_space<hbm>> -> memref<1x1x64x128xf32, #tpu.memory_space<hbm>>
        %dma_wait3A_460 = tpu.memref_squeeze %dma_wait3A_459 : memref<1x1x64x128xf32, #tpu.memory_space<hbm>> -> memref<64x128xf32, #tpu.memory_space<hbm>>
        tpu.wait_dma2 semaphore(%arg40 : memref<!tpu.dma_semaphore, #tpu.memory_space<semaphore_mem>>) src(%arg12 : memref<64x128xf32, #tpu.memory_space<vmem>>) dst(%dma_wait3A_460 : memref<64x128xf32, #tpu.memory_space<hbm>>)
        %dma_start3A_461 = arith.constant 0 : i32
        %dma_start3A_462 = tpu.memref_slice %arg5[%add3A_383, %dma_start3A_461] : memref<100x64xi32, #tpu.memory_space<vmem>> -> memref<1x64xi32, #tpu.memory_space<vmem>>
        %dma_start3A_463 = tpu.memref_squeeze %dma_start3A_462 : memref<1x64xi32, #tpu.memory_space<vmem>> -> memref<64xi32, #tpu.memory_space<vmem>>
        %dma_start3A_464 = arith.constant 0 : i32
        %dma_start3A_465 = arith.constant 0 : i32
        %dma_start3A_466 = tpu.memref_slice %arg2[%dma_start3A_464, %dma_start3A_465] : memref<100000x128xf32, #tpu.memory_space<hbm>> -> memref<100000x128xf32, #tpu.memory_space<hbm>>
        tpu.enqueue_indirect_dma source(%dma_start3A_466 : memref<100000x128xf32, #tpu.memory_space<hbm>>) target(%arg12 : memref<64x128xf32, #tpu.memory_space<vmem>>) offsets(%dma_start3A_463 : memref<64xi32, #tpu.memory_space<vmem>>) semaphore(%arg26 : memref<!tpu.dma_semaphore, #tpu.memory_space<semaphore_mem>>)
      } else {
      }
      %add3A_389 = arith.constant 7 : i32
      %add3A_390 = arith.addi %mul3A_230, %add3A_389 : i32
      %add3A_391 = arith.constant 14 : i32
      %add3A_392 = arith.addi %add3A_390, %add3A_391 : i32
      %lt3A_393 = arith.constant 100 : i32
      %lt3A_394 = arith.cmpi slt, %add3A_392, %lt3A_393 : i32
      %convert_element_type3A_395 = arith.extui %lt3A_394 : i1 to i32
      %cond3A_396 = arith.constant 0 : i32
      %cond3A_397 = arith.cmpi ne, %convert_element_type3A_395, %cond3A_396 : i32
      scf.if %cond3A_397 {
        %dma_wait3A_452 = arith.constant 0 : i32
        %dma_wait3A_453 = arith.constant 0 : i32
        %dma_wait3A_454 = arith.constant 0 : i32
        %dma_wait3A_455 = tpu.memref_slice %arg4[%add3A, %dma_wait3A_452, %dma_wait3A_453, %dma_wait3A_454] : memref<32x100x64x128xf32, #tpu.memory_space<hbm>> -> memref<1x1x64x128xf32, #tpu.memory_space<hbm>>
        %dma_wait3A_456 = tpu.memref_squeeze %dma_wait3A_455 : memref<1x1x64x128xf32, #tpu.memory_space<hbm>> -> memref<64x128xf32, #tpu.memory_space<hbm>>
        %dma_wait3A_457 = arith.constant 0 : i32
        %dma_wait3A_458 = arith.constant 0 : i32
        %dma_wait3A_459 = tpu.memref_slice %arg4[%add3A, %dma_wait3A_452, %dma_wait3A_457, %dma_wait3A_458] : memref<32x100x64x128xf32, #tpu.memory_space<hbm>> -> memref<1x1x64x128xf32, #tpu.memory_space<hbm>>
        %dma_wait3A_460 = tpu.memref_squeeze %dma_wait3A_459 : memref<1x1x64x128xf32, #tpu.memory_space<hbm>> -> memref<64x128xf32, #tpu.memory_space<hbm>>
        tpu.wait_dma2 semaphore(%arg41 : memref<!tpu.dma_semaphore, #tpu.memory_space<semaphore_mem>>) src(%arg13 : memref<64x128xf32, #tpu.memory_space<vmem>>) dst(%dma_wait3A_460 : memref<64x128xf32, #tpu.memory_space<hbm>>)
        %dma_start3A_461 = arith.constant 0 : i32
        %dma_start3A_462 = tpu.memref_slice %arg5[%add3A_392, %dma_start3A_461] : memref<100x64xi32, #tpu.memory_space<vmem>> -> memref<1x64xi32, #tpu.memory_space<vmem>>
        %dma_start3A_463 = tpu.memref_squeeze %dma_start3A_462 : memref<1x64xi32, #tpu.memory_space<vmem>> -> memref<64xi32, #tpu.memory_space<vmem>>
        %dma_start3A_464 = arith.constant 0 : i32
        %dma_start3A_465 = arith.constant 0 : i32
        %dma_start3A_466 = tpu.memref_slice %arg2[%dma_start3A_464, %dma_start3A_465] : memref<100000x128xf32, #tpu.memory_space<hbm>> -> memref<100000x128xf32, #tpu.memory_space<hbm>>
        tpu.enqueue_indirect_dma source(%dma_start3A_466 : memref<100000x128xf32, #tpu.memory_space<hbm>>) target(%arg13 : memref<64x128xf32, #tpu.memory_space<vmem>>) offsets(%dma_start3A_463 : memref<64xi32, #tpu.memory_space<vmem>>) semaphore(%arg27 : memref<!tpu.dma_semaphore, #tpu.memory_space<semaphore_mem>>)
      } else {
      }
      %add3A_398 = arith.constant 8 : i32
      %add3A_399 = arith.addi %mul3A_230, %add3A_398 : i32
      %add3A_400 = arith.constant 14 : i32
      %add3A_401 = arith.addi %add3A_399, %add3A_400 : i32
      %lt3A_402 = arith.constant 100 : i32
      %lt3A_403 = arith.cmpi slt, %add3A_401, %lt3A_402 : i32
      %convert_element_type3A_404 = arith.extui %lt3A_403 : i1 to i32
      %cond3A_405 = arith.constant 0 : i32
      %cond3A_406 = arith.cmpi ne, %convert_element_type3A_404, %cond3A_405 : i32
      scf.if %cond3A_406 {
        %dma_wait3A_452 = arith.constant 0 : i32
        %dma_wait3A_453 = arith.constant 0 : i32
        %dma_wait3A_454 = arith.constant 0 : i32
        %dma_wait3A_455 = tpu.memref_slice %arg4[%add3A, %dma_wait3A_452, %dma_wait3A_453, %dma_wait3A_454] : memref<32x100x64x128xf32, #tpu.memory_space<hbm>> -> memref<1x1x64x128xf32, #tpu.memory_space<hbm>>
        %dma_wait3A_456 = tpu.memref_squeeze %dma_wait3A_455 : memref<1x1x64x128xf32, #tpu.memory_space<hbm>> -> memref<64x128xf32, #tpu.memory_space<hbm>>
        %dma_wait3A_457 = arith.constant 0 : i32
        %dma_wait3A_458 = arith.constant 0 : i32
        %dma_wait3A_459 = tpu.memref_slice %arg4[%add3A, %dma_wait3A_452, %dma_wait3A_457, %dma_wait3A_458] : memref<32x100x64x128xf32, #tpu.memory_space<hbm>> -> memref<1x1x64x128xf32, #tpu.memory_space<hbm>>
        %dma_wait3A_460 = tpu.memref_squeeze %dma_wait3A_459 : memref<1x1x64x128xf32, #tpu.memory_space<hbm>> -> memref<64x128xf32, #tpu.memory_space<hbm>>
        tpu.wait_dma2 semaphore(%arg42 : memref<!tpu.dma_semaphore, #tpu.memory_space<semaphore_mem>>) src(%arg14 : memref<64x128xf32, #tpu.memory_space<vmem>>) dst(%dma_wait3A_460 : memref<64x128xf32, #tpu.memory_space<hbm>>)
        %dma_start3A_461 = arith.constant 0 : i32
        %dma_start3A_462 = tpu.memref_slice %arg5[%add3A_401, %dma_start3A_461] : memref<100x64xi32, #tpu.memory_space<vmem>> -> memref<1x64xi32, #tpu.memory_space<vmem>>
        %dma_start3A_463 = tpu.memref_squeeze %dma_start3A_462 : memref<1x64xi32, #tpu.memory_space<vmem>> -> memref<64xi32, #tpu.memory_space<vmem>>
        %dma_start3A_464 = arith.constant 0 : i32
        %dma_start3A_465 = arith.constant 0 : i32
        %dma_start3A_466 = tpu.memref_slice %arg2[%dma_start3A_464, %dma_start3A_465] : memref<100000x128xf32, #tpu.memory_space<hbm>> -> memref<100000x128xf32, #tpu.memory_space<hbm>>
        tpu.enqueue_indirect_dma source(%dma_start3A_466 : memref<100000x128xf32, #tpu.memory_space<hbm>>) target(%arg14 : memref<64x128xf32, #tpu.memory_space<vmem>>) offsets(%dma_start3A_463 : memref<64xi32, #tpu.memory_space<vmem>>) semaphore(%arg28 : memref<!tpu.dma_semaphore, #tpu.memory_space<semaphore_mem>>)
      } else {
      }
      %add3A_407 = arith.constant 9 : i32
      %add3A_408 = arith.addi %mul3A_230, %add3A_407 : i32
      %add3A_409 = arith.constant 14 : i32
      %add3A_410 = arith.addi %add3A_408, %add3A_409 : i32
      %lt3A_411 = arith.constant 100 : i32
      %lt3A_412 = arith.cmpi slt, %add3A_410, %lt3A_411 : i32
      %convert_element_type3A_413 = arith.extui %lt3A_412 : i1 to i32
      %cond3A_414 = arith.constant 0 : i32
      %cond3A_415 = arith.cmpi ne, %convert_element_type3A_413, %cond3A_414 : i32
      scf.if %cond3A_415 {
        %dma_wait3A_452 = arith.constant 0 : i32
        %dma_wait3A_453 = arith.constant 0 : i32
        %dma_wait3A_454 = arith.constant 0 : i32
        %dma_wait3A_455 = tpu.memref_slice %arg4[%add3A, %dma_wait3A_452, %dma_wait3A_453, %dma_wait3A_454] : memref<32x100x64x128xf32, #tpu.memory_space<hbm>> -> memref<1x1x64x128xf32, #tpu.memory_space<hbm>>
        %dma_wait3A_456 = tpu.memref_squeeze %dma_wait3A_455 : memref<1x1x64x128xf32, #tpu.memory_space<hbm>> -> memref<64x128xf32, #tpu.memory_space<hbm>>
        %dma_wait3A_457 = arith.constant 0 : i32
        %dma_wait3A_458 = arith.constant 0 : i32
        %dma_wait3A_459 = tpu.memref_slice %arg4[%add3A, %dma_wait3A_452, %dma_wait3A_457, %dma_wait3A_458] : memref<32x100x64x128xf32, #tpu.memory_space<hbm>> -> memref<1x1x64x128xf32, #tpu.memory_space<hbm>>
        %dma_wait3A_460 = tpu.memref_squeeze %dma_wait3A_459 : memref<1x1x64x128xf32, #tpu.memory_space<hbm>> -> memref<64x128xf32, #tpu.memory_space<hbm>>
        tpu.wait_dma2 semaphore(%arg43 : memref<!tpu.dma_semaphore, #tpu.memory_space<semaphore_mem>>) src(%arg15 : memref<64x128xf32, #tpu.memory_space<vmem>>) dst(%dma_wait3A_460 : memref<64x128xf32, #tpu.memory_space<hbm>>)
        %dma_start3A_461 = arith.constant 0 : i32
        %dma_start3A_462 = tpu.memref_slice %arg5[%add3A_410, %dma_start3A_461] : memref<100x64xi32, #tpu.memory_space<vmem>> -> memref<1x64xi32, #tpu.memory_space<vmem>>
        %dma_start3A_463 = tpu.memref_squeeze %dma_start3A_462 : memref<1x64xi32, #tpu.memory_space<vmem>> -> memref<64xi32, #tpu.memory_space<vmem>>
        %dma_start3A_464 = arith.constant 0 : i32
        %dma_start3A_465 = arith.constant 0 : i32
        %dma_start3A_466 = tpu.memref_slice %arg2[%dma_start3A_464, %dma_start3A_465] : memref<100000x128xf32, #tpu.memory_space<hbm>> -> memref<100000x128xf32, #tpu.memory_space<hbm>>
        tpu.enqueue_indirect_dma source(%dma_start3A_466 : memref<100000x128xf32, #tpu.memory_space<hbm>>) target(%arg15 : memref<64x128xf32, #tpu.memory_space<vmem>>) offsets(%dma_start3A_463 : memref<64xi32, #tpu.memory_space<vmem>>) semaphore(%arg29 : memref<!tpu.dma_semaphore, #tpu.memory_space<semaphore_mem>>)
      } else {
      }
      %add3A_416 = arith.constant 10 : i32
      %add3A_417 = arith.addi %mul3A_230, %add3A_416 : i32
      %add3A_418 = arith.constant 14 : i32
      %add3A_419 = arith.addi %add3A_417, %add3A_418 : i32
      %lt3A_420 = arith.constant 100 : i32
      %lt3A_421 = arith.cmpi slt, %add3A_419, %lt3A_420 : i32
      %convert_element_type3A_422 = arith.extui %lt3A_421 : i1 to i32
      %cond3A_423 = arith.constant 0 : i32
      %cond3A_424 = arith.cmpi ne, %convert_element_type3A_422, %cond3A_423 : i32
      scf.if %cond3A_424 {
        %dma_wait3A_452 = arith.constant 0 : i32
        %dma_wait3A_453 = arith.constant 0 : i32
        %dma_wait3A_454 = arith.constant 0 : i32
        %dma_wait3A_455 = tpu.memref_slice %arg4[%add3A, %dma_wait3A_452, %dma_wait3A_453, %dma_wait3A_454] : memref<32x100x64x128xf32, #tpu.memory_space<hbm>> -> memref<1x1x64x128xf32, #tpu.memory_space<hbm>>
        %dma_wait3A_456 = tpu.memref_squeeze %dma_wait3A_455 : memref<1x1x64x128xf32, #tpu.memory_space<hbm>> -> memref<64x128xf32, #tpu.memory_space<hbm>>
        %dma_wait3A_457 = arith.constant 0 : i32
        %dma_wait3A_458 = arith.constant 0 : i32
        %dma_wait3A_459 = tpu.memref_slice %arg4[%add3A, %dma_wait3A_452, %dma_wait3A_457, %dma_wait3A_458] : memref<32x100x64x128xf32, #tpu.memory_space<hbm>> -> memref<1x1x64x128xf32, #tpu.memory_space<hbm>>
        %dma_wait3A_460 = tpu.memref_squeeze %dma_wait3A_459 : memref<1x1x64x128xf32, #tpu.memory_space<hbm>> -> memref<64x128xf32, #tpu.memory_space<hbm>>
        tpu.wait_dma2 semaphore(%arg44 : memref<!tpu.dma_semaphore, #tpu.memory_space<semaphore_mem>>) src(%arg16 : memref<64x128xf32, #tpu.memory_space<vmem>>) dst(%dma_wait3A_460 : memref<64x128xf32, #tpu.memory_space<hbm>>)
        %dma_start3A_461 = arith.constant 0 : i32
        %dma_start3A_462 = tpu.memref_slice %arg5[%add3A_419, %dma_start3A_461] : memref<100x64xi32, #tpu.memory_space<vmem>> -> memref<1x64xi32, #tpu.memory_space<vmem>>
        %dma_start3A_463 = tpu.memref_squeeze %dma_start3A_462 : memref<1x64xi32, #tpu.memory_space<vmem>> -> memref<64xi32, #tpu.memory_space<vmem>>
        %dma_start3A_464 = arith.constant 0 : i32
        %dma_start3A_465 = arith.constant 0 : i32
        %dma_start3A_466 = tpu.memref_slice %arg2[%dma_start3A_464, %dma_start3A_465] : memref<100000x128xf32, #tpu.memory_space<hbm>> -> memref<100000x128xf32, #tpu.memory_space<hbm>>
        tpu.enqueue_indirect_dma source(%dma_start3A_466 : memref<100000x128xf32, #tpu.memory_space<hbm>>) target(%arg16 : memref<64x128xf32, #tpu.memory_space<vmem>>) offsets(%dma_start3A_463 : memref<64xi32, #tpu.memory_space<vmem>>) semaphore(%arg30 : memref<!tpu.dma_semaphore, #tpu.memory_space<semaphore_mem>>)
      } else {
      }
      %add3A_425 = arith.constant 11 : i32
      %add3A_426 = arith.addi %mul3A_230, %add3A_425 : i32
      %add3A_427 = arith.constant 14 : i32
      %add3A_428 = arith.addi %add3A_426, %add3A_427 : i32
      %lt3A_429 = arith.constant 100 : i32
      %lt3A_430 = arith.cmpi slt, %add3A_428, %lt3A_429 : i32
      %convert_element_type3A_431 = arith.extui %lt3A_430 : i1 to i32
      %cond3A_432 = arith.constant 0 : i32
      %cond3A_433 = arith.cmpi ne, %convert_element_type3A_431, %cond3A_432 : i32
      scf.if %cond3A_433 {
        %dma_wait3A_452 = arith.constant 0 : i32
        %dma_wait3A_453 = arith.constant 0 : i32
        %dma_wait3A_454 = arith.constant 0 : i32
        %dma_wait3A_455 = tpu.memref_slice %arg4[%add3A, %dma_wait3A_452, %dma_wait3A_453, %dma_wait3A_454] : memref<32x100x64x128xf32, #tpu.memory_space<hbm>> -> memref<1x1x64x128xf32, #tpu.memory_space<hbm>>
        %dma_wait3A_456 = tpu.memref_squeeze %dma_wait3A_455 : memref<1x1x64x128xf32, #tpu.memory_space<hbm>> -> memref<64x128xf32, #tpu.memory_space<hbm>>
        %dma_wait3A_457 = arith.constant 0 : i32
        %dma_wait3A_458 = arith.constant 0 : i32
        %dma_wait3A_459 = tpu.memref_slice %arg4[%add3A, %dma_wait3A_452, %dma_wait3A_457, %dma_wait3A_458] : memref<32x100x64x128xf32, #tpu.memory_space<hbm>> -> memref<1x1x64x128xf32, #tpu.memory_space<hbm>>
        %dma_wait3A_460 = tpu.memref_squeeze %dma_wait3A_459 : memref<1x1x64x128xf32, #tpu.memory_space<hbm>> -> memref<64x128xf32, #tpu.memory_space<hbm>>
        tpu.wait_dma2 semaphore(%arg45 : memref<!tpu.dma_semaphore, #tpu.memory_space<semaphore_mem>>) src(%arg17 : memref<64x128xf32, #tpu.memory_space<vmem>>) dst(%dma_wait3A_460 : memref<64x128xf32, #tpu.memory_space<hbm>>)
        %dma_start3A_461 = arith.constant 0 : i32
        %dma_start3A_462 = tpu.memref_slice %arg5[%add3A_428, %dma_start3A_461] : memref<100x64xi32, #tpu.memory_space<vmem>> -> memref<1x64xi32, #tpu.memory_space<vmem>>
        %dma_start3A_463 = tpu.memref_squeeze %dma_start3A_462 : memref<1x64xi32, #tpu.memory_space<vmem>> -> memref<64xi32, #tpu.memory_space<vmem>>
        %dma_start3A_464 = arith.constant 0 : i32
        %dma_start3A_465 = arith.constant 0 : i32
        %dma_start3A_466 = tpu.memref_slice %arg2[%dma_start3A_464, %dma_start3A_465] : memref<100000x128xf32, #tpu.memory_space<hbm>> -> memref<100000x128xf32, #tpu.memory_space<hbm>>
        tpu.enqueue_indirect_dma source(%dma_start3A_466 : memref<100000x128xf32, #tpu.memory_space<hbm>>) target(%arg17 : memref<64x128xf32, #tpu.memory_space<vmem>>) offsets(%dma_start3A_463 : memref<64xi32, #tpu.memory_space<vmem>>) semaphore(%arg31 : memref<!tpu.dma_semaphore, #tpu.memory_space<semaphore_mem>>)
      } else {
      }
      %add3A_434 = arith.constant 12 : i32
      %add3A_435 = arith.addi %mul3A_230, %add3A_434 : i32
      %add3A_436 = arith.constant 14 : i32
      %add3A_437 = arith.addi %add3A_435, %add3A_436 : i32
      %lt3A_438 = arith.constant 100 : i32
      %lt3A_439 = arith.cmpi slt, %add3A_437, %lt3A_438 : i32
      %convert_element_type3A_440 = arith.extui %lt3A_439 : i1 to i32
      %cond3A_441 = arith.constant 0 : i32
      %cond3A_442 = arith.cmpi ne, %convert_element_type3A_440, %cond3A_441 : i32
      scf.if %cond3A_442 {
        %dma_wait3A_452 = arith.constant 0 : i32
        %dma_wait3A_453 = arith.constant 0 : i32
        %dma_wait3A_454 = arith.constant 0 : i32
        %dma_wait3A_455 = tpu.memref_slice %arg4[%add3A, %dma_wait3A_452, %dma_wait3A_453, %dma_wait3A_454] : memref<32x100x64x128xf32, #tpu.memory_space<hbm>> -> memref<1x1x64x128xf32, #tpu.memory_space<hbm>>
        %dma_wait3A_456 = tpu.memref_squeeze %dma_wait3A_455 : memref<1x1x64x128xf32, #tpu.memory_space<hbm>> -> memref<64x128xf32, #tpu.memory_space<hbm>>
        %dma_wait3A_457 = arith.constant 0 : i32
        %dma_wait3A_458 = arith.constant 0 : i32
        %dma_wait3A_459 = tpu.memref_slice %arg4[%add3A, %dma_wait3A_452, %dma_wait3A_457, %dma_wait3A_458] : memref<32x100x64x128xf32, #tpu.memory_space<hbm>> -> memref<1x1x64x128xf32, #tpu.memory_space<hbm>>
        %dma_wait3A_460 = tpu.memref_squeeze %dma_wait3A_459 : memref<1x1x64x128xf32, #tpu.memory_space<hbm>> -> memref<64x128xf32, #tpu.memory_space<hbm>>
        tpu.wait_dma2 semaphore(%arg46 : memref<!tpu.dma_semaphore, #tpu.memory_space<semaphore_mem>>) src(%arg18 : memref<64x128xf32, #tpu.memory_space<vmem>>) dst(%dma_wait3A_460 : memref<64x128xf32, #tpu.memory_space<hbm>>)
        %dma_start3A_461 = arith.constant 0 : i32
        %dma_start3A_462 = tpu.memref_slice %arg5[%add3A_437, %dma_start3A_461] : memref<100x64xi32, #tpu.memory_space<vmem>> -> memref<1x64xi32, #tpu.memory_space<vmem>>
        %dma_start3A_463 = tpu.memref_squeeze %dma_start3A_462 : memref<1x64xi32, #tpu.memory_space<vmem>> -> memref<64xi32, #tpu.memory_space<vmem>>
        %dma_start3A_464 = arith.constant 0 : i32
        %dma_start3A_465 = arith.constant 0 : i32
        %dma_start3A_466 = tpu.memref_slice %arg2[%dma_start3A_464, %dma_start3A_465] : memref<100000x128xf32, #tpu.memory_space<hbm>> -> memref<100000x128xf32, #tpu.memory_space<hbm>>
        tpu.enqueue_indirect_dma source(%dma_start3A_466 : memref<100000x128xf32, #tpu.memory_space<hbm>>) target(%arg18 : memref<64x128xf32, #tpu.memory_space<vmem>>) offsets(%dma_start3A_463 : memref<64xi32, #tpu.memory_space<vmem>>) semaphore(%arg32 : memref<!tpu.dma_semaphore, #tpu.memory_space<semaphore_mem>>)
      } else {
      }
      %add3A_443 = arith.constant 13 : i32
      %add3A_444 = arith.addi %mul3A_230, %add3A_443 : i32
      %add3A_445 = arith.constant 14 : i32
      %add3A_446 = arith.addi %add3A_444, %add3A_445 : i32
      %lt3A_447 = arith.constant 100 : i32
      %lt3A_448 = arith.cmpi slt, %add3A_446, %lt3A_447 : i32
      %convert_element_type3A_449 = arith.extui %lt3A_448 : i1 to i32
      %cond3A_450 = arith.constant 0 : i32
      %cond3A_451 = arith.cmpi ne, %convert_element_type3A_449, %cond3A_450 : i32
      scf.if %cond3A_451 {
        %dma_wait3A_452 = arith.constant 0 : i32
        %dma_wait3A_453 = arith.constant 0 : i32
        %dma_wait3A_454 = arith.constant 0 : i32
        %dma_wait3A_455 = tpu.memref_slice %arg4[%add3A, %dma_wait3A_452, %dma_wait3A_453, %dma_wait3A_454] : memref<32x100x64x128xf32, #tpu.memory_space<hbm>> -> memref<1x1x64x128xf32, #tpu.memory_space<hbm>>
        %dma_wait3A_456 = tpu.memref_squeeze %dma_wait3A_455 : memref<1x1x64x128xf32, #tpu.memory_space<hbm>> -> memref<64x128xf32, #tpu.memory_space<hbm>>
        %dma_wait3A_457 = arith.constant 0 : i32
        %dma_wait3A_458 = arith.constant 0 : i32
        %dma_wait3A_459 = tpu.memref_slice %arg4[%add3A, %dma_wait3A_452, %dma_wait3A_457, %dma_wait3A_458] : memref<32x100x64x128xf32, #tpu.memory_space<hbm>> -> memref<1x1x64x128xf32, #tpu.memory_space<hbm>>
        %dma_wait3A_460 = tpu.memref_squeeze %dma_wait3A_459 : memref<1x1x64x128xf32, #tpu.memory_space<hbm>> -> memref<64x128xf32, #tpu.memory_space<hbm>>
        tpu.wait_dma2 semaphore(%arg47 : memref<!tpu.dma_semaphore, #tpu.memory_space<semaphore_mem>>) src(%arg19 : memref<64x128xf32, #tpu.memory_space<vmem>>) dst(%dma_wait3A_460 : memref<64x128xf32, #tpu.memory_space<hbm>>)
        %dma_start3A_461 = arith.constant 0 : i32
        %dma_start3A_462 = tpu.memref_slice %arg5[%add3A_446, %dma_start3A_461] : memref<100x64xi32, #tpu.memory_space<vmem>> -> memref<1x64xi32, #tpu.memory_space<vmem>>
        %dma_start3A_463 = tpu.memref_squeeze %dma_start3A_462 : memref<1x64xi32, #tpu.memory_space<vmem>> -> memref<64xi32, #tpu.memory_space<vmem>>
        %dma_start3A_464 = arith.constant 0 : i32
        %dma_start3A_465 = arith.constant 0 : i32
        %dma_start3A_466 = tpu.memref_slice %arg2[%dma_start3A_464, %dma_start3A_465] : memref<100000x128xf32, #tpu.memory_space<hbm>> -> memref<100000x128xf32, #tpu.memory_space<hbm>>
        tpu.enqueue_indirect_dma source(%dma_start3A_466 : memref<100000x128xf32, #tpu.memory_space<hbm>>) target(%arg19 : memref<64x128xf32, #tpu.memory_space<vmem>>) offsets(%dma_start3A_463 : memref<64xi32, #tpu.memory_space<vmem>>) semaphore(%arg33 : memref<!tpu.dma_semaphore, #tpu.memory_space<semaphore_mem>>)
      } else {
      }
    }
    %scan3A_102 = arith.constant 8 : i32
    %dma_wait3A = arith.constant 0 : i32
    %dma_wait3A_103 = arith.constant 0 : i32
    %dma_wait3A_104 = arith.constant 0 : i32
    %dma_wait3A_105 = tpu.memref_slice %arg4[%add3A, %dma_wait3A, %dma_wait3A_103, %dma_wait3A_104] : memref<32x100x64x128xf32, #tpu.memory_space<hbm>> -> memref<1x1x64x128xf32, #tpu.memory_space<hbm>>
    %dma_wait3A_106 = tpu.memref_squeeze %dma_wait3A_105 : memref<1x1x64x128xf32, #tpu.memory_space<hbm>> -> memref<64x128xf32, #tpu.memory_space<hbm>>
    %dma_wait3A_107 = arith.constant 0 : i32
    %dma_wait3A_108 = arith.constant 0 : i32
    %dma_wait3A_109 = tpu.memref_slice %arg4[%add3A, %dma_wait3A, %dma_wait3A_107, %dma_wait3A_108] : memref<32x100x64x128xf32, #tpu.memory_space<hbm>> -> memref<1x1x64x128xf32, #tpu.memory_space<hbm>>
    %dma_wait3A_110 = tpu.memref_squeeze %dma_wait3A_109 : memref<1x1x64x128xf32, #tpu.memory_space<hbm>> -> memref<64x128xf32, #tpu.memory_space<hbm>>
    tpu.wait_dma2 semaphore(%arg34 : memref<!tpu.dma_semaphore, #tpu.memory_space<semaphore_mem>>) src(%arg6 : memref<64x128xf32, #tpu.memory_space<vmem>>) dst(%dma_wait3A_110 : memref<64x128xf32, #tpu.memory_space<hbm>>)
    %dma_wait3A_111 = arith.constant 0 : i32
    %dma_wait3A_112 = arith.constant 0 : i32
    %dma_wait3A_113 = arith.constant 0 : i32
    %dma_wait3A_114 = tpu.memref_slice %arg4[%add3A, %dma_wait3A_111, %dma_wait3A_112, %dma_wait3A_113] : memref<32x100x64x128xf32, #tpu.memory_space<hbm>> -> memref<1x1x64x128xf32, #tpu.memory_space<hbm>>
    %dma_wait3A_115 = tpu.memref_squeeze %dma_wait3A_114 : memref<1x1x64x128xf32, #tpu.memory_space<hbm>> -> memref<64x128xf32, #tpu.memory_space<hbm>>
    %dma_wait3A_116 = arith.constant 0 : i32
    %dma_wait3A_117 = arith.constant 0 : i32
    %dma_wait3A_118 = tpu.memref_slice %arg4[%add3A, %dma_wait3A_111, %dma_wait3A_116, %dma_wait3A_117] : memref<32x100x64x128xf32, #tpu.memory_space<hbm>> -> memref<1x1x64x128xf32, #tpu.memory_space<hbm>>
    %dma_wait3A_119 = tpu.memref_squeeze %dma_wait3A_118 : memref<1x1x64x128xf32, #tpu.memory_space<hbm>> -> memref<64x128xf32, #tpu.memory_space<hbm>>
    tpu.wait_dma2 semaphore(%arg35 : memref<!tpu.dma_semaphore, #tpu.memory_space<semaphore_mem>>) src(%arg7 : memref<64x128xf32, #tpu.memory_space<vmem>>) dst(%dma_wait3A_119 : memref<64x128xf32, #tpu.memory_space<hbm>>)
    %dma_wait3A_120 = arith.constant 0 : i32
    %dma_wait3A_121 = arith.constant 0 : i32
    %dma_wait3A_122 = arith.constant 0 : i32
    %dma_wait3A_123 = tpu.memref_slice %arg4[%add3A, %dma_wait3A_120, %dma_wait3A_121, %dma_wait3A_122] : memref<32x100x64x128xf32, #tpu.memory_space<hbm>> -> memref<1x1x64x128xf32, #tpu.memory_space<hbm>>
    %dma_wait3A_124 = tpu.memref_squeeze %dma_wait3A_123 : memref<1x1x64x128xf32, #tpu.memory_space<hbm>> -> memref<64x128xf32, #tpu.memory_space<hbm>>
    %dma_wait3A_125 = arith.constant 0 : i32
    %dma_wait3A_126 = arith.constant 0 : i32
    %dma_wait3A_127 = tpu.memref_slice %arg4[%add3A, %dma_wait3A_120, %dma_wait3A_125, %dma_wait3A_126] : memref<32x100x64x128xf32, #tpu.memory_space<hbm>> -> memref<1x1x64x128xf32, #tpu.memory_space<hbm>>
    %dma_wait3A_128 = tpu.memref_squeeze %dma_wait3A_127 : memref<1x1x64x128xf32, #tpu.memory_space<hbm>> -> memref<64x128xf32, #tpu.memory_space<hbm>>
    tpu.wait_dma2 semaphore(%arg36 : memref<!tpu.dma_semaphore, #tpu.memory_space<semaphore_mem>>) src(%arg8 : memref<64x128xf32, #tpu.memory_space<vmem>>) dst(%dma_wait3A_128 : memref<64x128xf32, #tpu.memory_space<hbm>>)
    %dma_wait3A_129 = arith.constant 0 : i32
    %dma_wait3A_130 = arith.constant 0 : i32
    %dma_wait3A_131 = arith.constant 0 : i32
    %dma_wait3A_132 = tpu.memref_slice %arg4[%add3A, %dma_wait3A_129, %dma_wait3A_130, %dma_wait3A_131] : memref<32x100x64x128xf32, #tpu.memory_space<hbm>> -> memref<1x1x64x128xf32, #tpu.memory_space<hbm>>
    %dma_wait3A_133 = tpu.memref_squeeze %dma_wait3A_132 : memref<1x1x64x128xf32, #tpu.memory_space<hbm>> -> memref<64x128xf32, #tpu.memory_space<hbm>>
    %dma_wait3A_134 = arith.constant 0 : i32
    %dma_wait3A_135 = arith.constant 0 : i32
    %dma_wait3A_136 = tpu.memref_slice %arg4[%add3A, %dma_wait3A_129, %dma_wait3A_134, %dma_wait3A_135] : memref<32x100x64x128xf32, #tpu.memory_space<hbm>> -> memref<1x1x64x128xf32, #tpu.memory_space<hbm>>
    %dma_wait3A_137 = tpu.memref_squeeze %dma_wait3A_136 : memref<1x1x64x128xf32, #tpu.memory_space<hbm>> -> memref<64x128xf32, #tpu.memory_space<hbm>>
    tpu.wait_dma2 semaphore(%arg37 : memref<!tpu.dma_semaphore, #tpu.memory_space<semaphore_mem>>) src(%arg9 : memref<64x128xf32, #tpu.memory_space<vmem>>) dst(%dma_wait3A_137 : memref<64x128xf32, #tpu.memory_space<hbm>>)
    %dma_wait3A_138 = arith.constant 0 : i32
    %dma_wait3A_139 = arith.constant 0 : i32
    %dma_wait3A_140 = arith.constant 0 : i32
    %dma_wait3A_141 = tpu.memref_slice %arg4[%add3A, %dma_wait3A_138, %dma_wait3A_139, %dma_wait3A_140] : memref<32x100x64x128xf32, #tpu.memory_space<hbm>> -> memref<1x1x64x128xf32, #tpu.memory_space<hbm>>
    %dma_wait3A_142 = tpu.memref_squeeze %dma_wait3A_141 : memref<1x1x64x128xf32, #tpu.memory_space<hbm>> -> memref<64x128xf32, #tpu.memory_space<hbm>>
    %dma_wait3A_143 = arith.constant 0 : i32
    %dma_wait3A_144 = arith.constant 0 : i32
    %dma_wait3A_145 = tpu.memref_slice %arg4[%add3A, %dma_wait3A_138, %dma_wait3A_143, %dma_wait3A_144] : memref<32x100x64x128xf32, #tpu.memory_space<hbm>> -> memref<1x1x64x128xf32, #tpu.memory_space<hbm>>
    %dma_wait3A_146 = tpu.memref_squeeze %dma_wait3A_145 : memref<1x1x64x128xf32, #tpu.memory_space<hbm>> -> memref<64x128xf32, #tpu.memory_space<hbm>>
    tpu.wait_dma2 semaphore(%arg38 : memref<!tpu.dma_semaphore, #tpu.memory_space<semaphore_mem>>) src(%arg10 : memref<64x128xf32, #tpu.memory_space<vmem>>) dst(%dma_wait3A_146 : memref<64x128xf32, #tpu.memory_space<hbm>>)
    %dma_wait3A_147 = arith.constant 0 : i32
    %dma_wait3A_148 = arith.constant 0 : i32
    %dma_wait3A_149 = arith.constant 0 : i32
    %dma_wait3A_150 = tpu.memref_slice %arg4[%add3A, %dma_wait3A_147, %dma_wait3A_148, %dma_wait3A_149] : memref<32x100x64x128xf32, #tpu.memory_space<hbm>> -> memref<1x1x64x128xf32, #tpu.memory_space<hbm>>
    %dma_wait3A_151 = tpu.memref_squeeze %dma_wait3A_150 : memref<1x1x64x128xf32, #tpu.memory_space<hbm>> -> memref<64x128xf32, #tpu.memory_space<hbm>>
    %dma_wait3A_152 = arith.constant 0 : i32
    %dma_wait3A_153 = arith.constant 0 : i32
    %dma_wait3A_154 = tpu.memref_slice %arg4[%add3A, %dma_wait3A_147, %dma_wait3A_152, %dma_wait3A_153] : memref<32x100x64x128xf32, #tpu.memory_space<hbm>> -> memref<1x1x64x128xf32, #tpu.memory_space<hbm>>
    %dma_wait3A_155 = tpu.memref_squeeze %dma_wait3A_154 : memref<1x1x64x128xf32, #tpu.memory_space<hbm>> -> memref<64x128xf32, #tpu.memory_space<hbm>>
    tpu.wait_dma2 semaphore(%arg39 : memref<!tpu.dma_semaphore, #tpu.memory_space<semaphore_mem>>) src(%arg11 : memref<64x128xf32, #tpu.memory_space<vmem>>) dst(%dma_wait3A_155 : memref<64x128xf32, #tpu.memory_space<hbm>>)
    %dma_wait3A_156 = arith.constant 0 : i32
    %dma_wait3A_157 = arith.constant 0 : i32
    %dma_wait3A_158 = arith.constant 0 : i32
    %dma_wait3A_159 = tpu.memref_slice %arg4[%add3A, %dma_wait3A_156, %dma_wait3A_157, %dma_wait3A_158] : memref<32x100x64x128xf32, #tpu.memory_space<hbm>> -> memref<1x1x64x128xf32, #tpu.memory_space<hbm>>
    %dma_wait3A_160 = tpu.memref_squeeze %dma_wait3A_159 : memref<1x1x64x128xf32, #tpu.memory_space<hbm>> -> memref<64x128xf32, #tpu.memory_space<hbm>>
    %dma_wait3A_161 = arith.constant 0 : i32
    %dma_wait3A_162 = arith.constant 0 : i32
    %dma_wait3A_163 = tpu.memref_slice %arg4[%add3A, %dma_wait3A_156, %dma_wait3A_161, %dma_wait3A_162] : memref<32x100x64x128xf32, #tpu.memory_space<hbm>> -> memref<1x1x64x128xf32, #tpu.memory_space<hbm>>
    %dma_wait3A_164 = tpu.memref_squeeze %dma_wait3A_163 : memref<1x1x64x128xf32, #tpu.memory_space<hbm>> -> memref<64x128xf32, #tpu.memory_space<hbm>>
    tpu.wait_dma2 semaphore(%arg40 : memref<!tpu.dma_semaphore, #tpu.memory_space<semaphore_mem>>) src(%arg12 : memref<64x128xf32, #tpu.memory_space<vmem>>) dst(%dma_wait3A_164 : memref<64x128xf32, #tpu.memory_space<hbm>>)
    %dma_wait3A_165 = arith.constant 0 : i32
    %dma_wait3A_166 = arith.constant 0 : i32
    %dma_wait3A_167 = arith.constant 0 : i32
    %dma_wait3A_168 = tpu.memref_slice %arg4[%add3A, %dma_wait3A_165, %dma_wait3A_166, %dma_wait3A_167] : memref<32x100x64x128xf32, #tpu.memory_space<hbm>> -> memref<1x1x64x128xf32, #tpu.memory_space<hbm>>
    %dma_wait3A_169 = tpu.memref_squeeze %dma_wait3A_168 : memref<1x1x64x128xf32, #tpu.memory_space<hbm>> -> memref<64x128xf32, #tpu.memory_space<hbm>>
    %dma_wait3A_170 = arith.constant 0 : i32
    %dma_wait3A_171 = arith.constant 0 : i32
    %dma_wait3A_172 = tpu.memref_slice %arg4[%add3A, %dma_wait3A_165, %dma_wait3A_170, %dma_wait3A_171] : memref<32x100x64x128xf32, #tpu.memory_space<hbm>> -> memref<1x1x64x128xf32, #tpu.memory_space<hbm>>
    %dma_wait3A_173 = tpu.memref_squeeze %dma_wait3A_172 : memref<1x1x64x128xf32, #tpu.memory_space<hbm>> -> memref<64x128xf32, #tpu.memory_space<hbm>>
    tpu.wait_dma2 semaphore(%arg41 : memref<!tpu.dma_semaphore, #tpu.memory_space<semaphore_mem>>) src(%arg13 : memref<64x128xf32, #tpu.memory_space<vmem>>) dst(%dma_wait3A_173 : memref<64x128xf32, #tpu.memory_space<hbm>>)
    %dma_wait3A_174 = arith.constant 0 : i32
    %dma_wait3A_175 = arith.constant 0 : i32
    %dma_wait3A_176 = arith.constant 0 : i32
    %dma_wait3A_177 = tpu.memref_slice %arg4[%add3A, %dma_wait3A_174, %dma_wait3A_175, %dma_wait3A_176] : memref<32x100x64x128xf32, #tpu.memory_space<hbm>> -> memref<1x1x64x128xf32, #tpu.memory_space<hbm>>
    %dma_wait3A_178 = tpu.memref_squeeze %dma_wait3A_177 : memref<1x1x64x128xf32, #tpu.memory_space<hbm>> -> memref<64x128xf32, #tpu.memory_space<hbm>>
    %dma_wait3A_179 = arith.constant 0 : i32
    %dma_wait3A_180 = arith.constant 0 : i32
    %dma_wait3A_181 = tpu.memref_slice %arg4[%add3A, %dma_wait3A_174, %dma_wait3A_179, %dma_wait3A_180] : memref<32x100x64x128xf32, #tpu.memory_space<hbm>> -> memref<1x1x64x128xf32, #tpu.memory_space<hbm>>
    %dma_wait3A_182 = tpu.memref_squeeze %dma_wait3A_181 : memref<1x1x64x128xf32, #tpu.memory_space<hbm>> -> memref<64x128xf32, #tpu.memory_space<hbm>>
    tpu.wait_dma2 semaphore(%arg42 : memref<!tpu.dma_semaphore, #tpu.memory_space<semaphore_mem>>) src(%arg14 : memref<64x128xf32, #tpu.memory_space<vmem>>) dst(%dma_wait3A_182 : memref<64x128xf32, #tpu.memory_space<hbm>>)
    %dma_wait3A_183 = arith.constant 0 : i32
    %dma_wait3A_184 = arith.constant 0 : i32
    %dma_wait3A_185 = arith.constant 0 : i32
    %dma_wait3A_186 = tpu.memref_slice %arg4[%add3A, %dma_wait3A_183, %dma_wait3A_184, %dma_wait3A_185] : memref<32x100x64x128xf32, #tpu.memory_space<hbm>> -> memref<1x1x64x128xf32, #tpu.memory_space<hbm>>
    %dma_wait3A_187 = tpu.memref_squeeze %dma_wait3A_186 : memref<1x1x64x128xf32, #tpu.memory_space<hbm>> -> memref<64x128xf32, #tpu.memory_space<hbm>>
    %dma_wait3A_188 = arith.constant 0 : i32
    %dma_wait3A_189 = arith.constant 0 : i32
    %dma_wait3A_190 = tpu.memref_slice %arg4[%add3A, %dma_wait3A_183, %dma_wait3A_188, %dma_wait3A_189] : memref<32x100x64x128xf32, #tpu.memory_space<hbm>> -> memref<1x1x64x128xf32, #tpu.memory_space<hbm>>
    %dma_wait3A_191 = tpu.memref_squeeze %dma_wait3A_190 : memref<1x1x64x128xf32, #tpu.memory_space<hbm>> -> memref<64x128xf32, #tpu.memory_space<hbm>>
    tpu.wait_dma2 semaphore(%arg43 : memref<!tpu.dma_semaphore, #tpu.memory_space<semaphore_mem>>) src(%arg15 : memref<64x128xf32, #tpu.memory_space<vmem>>) dst(%dma_wait3A_191 : memref<64x128xf32, #tpu.memory_space<hbm>>)
    %dma_wait3A_192 = arith.constant 0 : i32
    %dma_wait3A_193 = arith.constant 0 : i32
    %dma_wait3A_194 = arith.constant 0 : i32
    %dma_wait3A_195 = tpu.memref_slice %arg4[%add3A, %dma_wait3A_192, %dma_wait3A_193, %dma_wait3A_194] : memref<32x100x64x128xf32, #tpu.memory_space<hbm>> -> memref<1x1x64x128xf32, #tpu.memory_space<hbm>>
    %dma_wait3A_196 = tpu.memref_squeeze %dma_wait3A_195 : memref<1x1x64x128xf32, #tpu.memory_space<hbm>> -> memref<64x128xf32, #tpu.memory_space<hbm>>
    %dma_wait3A_197 = arith.constant 0 : i32
    %dma_wait3A_198 = arith.constant 0 : i32
    %dma_wait3A_199 = tpu.memref_slice %arg4[%add3A, %dma_wait3A_192, %dma_wait3A_197, %dma_wait3A_198] : memref<32x100x64x128xf32, #tpu.memory_space<hbm>> -> memref<1x1x64x128xf32, #tpu.memory_space<hbm>>
    %dma_wait3A_200 = tpu.memref_squeeze %dma_wait3A_199 : memref<1x1x64x128xf32, #tpu.memory_space<hbm>> -> memref<64x128xf32, #tpu.memory_space<hbm>>
    tpu.wait_dma2 semaphore(%arg44 : memref<!tpu.dma_semaphore, #tpu.memory_space<semaphore_mem>>) src(%arg16 : memref<64x128xf32, #tpu.memory_space<vmem>>) dst(%dma_wait3A_200 : memref<64x128xf32, #tpu.memory_space<hbm>>)
    %dma_wait3A_201 = arith.constant 0 : i32
    %dma_wait3A_202 = arith.constant 0 : i32
    %dma_wait3A_203 = arith.constant 0 : i32
    %dma_wait3A_204 = tpu.memref_slice %arg4[%add3A, %dma_wait3A_201, %dma_wait3A_202, %dma_wait3A_203] : memref<32x100x64x128xf32, #tpu.memory_space<hbm>> -> memref<1x1x64x128xf32, #tpu.memory_space<hbm>>
    %dma_wait3A_205 = tpu.memref_squeeze %dma_wait3A_204 : memref<1x1x64x128xf32, #tpu.memory_space<hbm>> -> memref<64x128xf32, #tpu.memory_space<hbm>>
    %dma_wait3A_206 = arith.constant 0 : i32
    %dma_wait3A_207 = arith.constant 0 : i32
    %dma_wait3A_208 = tpu.memref_slice %arg4[%add3A, %dma_wait3A_201, %dma_wait3A_206, %dma_wait3A_207] : memref<32x100x64x128xf32, #tpu.memory_space<hbm>> -> memref<1x1x64x128xf32, #tpu.memory_space<hbm>>
    %dma_wait3A_209 = tpu.memref_squeeze %dma_wait3A_208 : memref<1x1x64x128xf32, #tpu.memory_space<hbm>> -> memref<64x128xf32, #tpu.memory_space<hbm>>
    tpu.wait_dma2 semaphore(%arg45 : memref<!tpu.dma_semaphore, #tpu.memory_space<semaphore_mem>>) src(%arg17 : memref<64x128xf32, #tpu.memory_space<vmem>>) dst(%dma_wait3A_209 : memref<64x128xf32, #tpu.memory_space<hbm>>)
    %dma_wait3A_210 = arith.constant 0 : i32
    %dma_wait3A_211 = arith.constant 0 : i32
    %dma_wait3A_212 = arith.constant 0 : i32
    %dma_wait3A_213 = tpu.memref_slice %arg4[%add3A, %dma_wait3A_210, %dma_wait3A_211, %dma_wait3A_212] : memref<32x100x64x128xf32, #tpu.memory_space<hbm>> -> memref<1x1x64x128xf32, #tpu.memory_space<hbm>>
    %dma_wait3A_214 = tpu.memref_squeeze %dma_wait3A_213 : memref<1x1x64x128xf32, #tpu.memory_space<hbm>> -> memref<64x128xf32, #tpu.memory_space<hbm>>
    %dma_wait3A_215 = arith.constant 0 : i32
    %dma_wait3A_216 = arith.constant 0 : i32
    %dma_wait3A_217 = tpu.memref_slice %arg4[%add3A, %dma_wait3A_210, %dma_wait3A_215, %dma_wait3A_216] : memref<32x100x64x128xf32, #tpu.memory_space<hbm>> -> memref<1x1x64x128xf32, #tpu.memory_space<hbm>>
    %dma_wait3A_218 = tpu.memref_squeeze %dma_wait3A_217 : memref<1x1x64x128xf32, #tpu.memory_space<hbm>> -> memref<64x128xf32, #tpu.memory_space<hbm>>
    tpu.wait_dma2 semaphore(%arg46 : memref<!tpu.dma_semaphore, #tpu.memory_space<semaphore_mem>>) src(%arg18 : memref<64x128xf32, #tpu.memory_space<vmem>>) dst(%dma_wait3A_218 : memref<64x128xf32, #tpu.memory_space<hbm>>)
    %dma_wait3A_219 = arith.constant 0 : i32
    %dma_wait3A_220 = arith.constant 0 : i32
    %dma_wait3A_221 = arith.constant 0 : i32
    %dma_wait3A_222 = tpu.memref_slice %arg4[%add3A, %dma_wait3A_219, %dma_wait3A_220, %dma_wait3A_221] : memref<32x100x64x128xf32, #tpu.memory_space<hbm>> -> memref<1x1x64x128xf32, #tpu.memory_space<hbm>>
    %dma_wait3A_223 = tpu.memref_squeeze %dma_wait3A_222 : memref<1x1x64x128xf32, #tpu.memory_space<hbm>> -> memref<64x128xf32, #tpu.memory_space<hbm>>
    %dma_wait3A_224 = arith.constant 0 : i32
    %dma_wait3A_225 = arith.constant 0 : i32
    %dma_wait3A_226 = tpu.memref_slice %arg4[%add3A, %dma_wait3A_219, %dma_wait3A_224, %dma_wait3A_225] : memref<32x100x64x128xf32, #tpu.memory_space<hbm>> -> memref<1x1x64x128xf32, #tpu.memory_space<hbm>>
    %dma_wait3A_227 = tpu.memref_squeeze %dma_wait3A_226 : memref<1x1x64x128xf32, #tpu.memory_space<hbm>> -> memref<64x128xf32, #tpu.memory_space<hbm>>
    tpu.wait_dma2 semaphore(%arg47 : memref<!tpu.dma_semaphore, #tpu.memory_space<semaphore_mem>>) src(%arg19 : memref<64x128xf32, #tpu.memory_space<vmem>>) dst(%dma_wait3A_227 : memref<64x128xf32, #tpu.memory_space<hbm>>)
    return
  }
}

</mosaic_0001>

<sc_bundles>
// kernel: kernel.3.cloned.1.call-start
scs
__scs_entry_jumppad:
0x0: {  	(pc) =	sbr.rel $0x88, $3  }
0x1: {  	(tag) =	ssettag $0x0;
	lr =	simm.s32 $0x1  }
0x2: {  	[smem:$0x3F9F] =	sst lr;
	_ =	strace $0xD0000000  }
0x3: {  	_ = 	snop  }
0x4: {  	_ = 	snop  }
0x5: {  	_ = 	snop  }
0x6: {  	_ = 	snop  }
0x7: {  	_ = 	snop  }
__scs_overlays_trampoline_lowered:
0x8: {  	[smem:$0x3FAE] =	sst s0  }
0x9: {  	[smem:$0x3FAF] =	sst s1  }
0xa: {  	[smem:$0x3FB0] =	sst s2  }
0xb: {  	[smem:$0x3FB1] =	sst s3  }
0xc: {  	[smem:$0x3FB2] =	sst s4  }
0xd: {  	[smem:$0x3FB3] =	sst s5  }
0xe: {  	[smem:$0x3FB4] =	sst s6  }
0xf: {  	[smem:$0x3FB5] =	sst s7  }
0x10: {  	[smem:$0x3FB6] =	sst s8  }
0x11: {  	[smem:$0x3FB7] =	sst s9;
	s0 =	simm.s32 @!p0 $0x0  }
0x12: {  	s1 =	sld [smem:$0x3F9D];
	s0 =	simm.s32 @p0 $0x1  }
0x13: {  	[smem:$0x3FB8] =	sst s0;
	s0 =	simm.s32 @!p1 $0x0  }
0x14: {  	s2 =	sld [smem:$0x3F9C];
	s0 =	simm.s32 @p1 $0x1  }
0x15: {  	[smem:$0x3FB9] =	sst s0;
	s0 =	simm.s32 @!p2 $0x0  }
0x16: {  	s3 =	sld [smem:$0x3FDB];
	s0 =	simm.s32 @p2 $0x1  }
0x17: {  	s4 =	simm.s32 $0x1BF5;
	[smem:$0x3FBB] =	sst s0  }
0x18: {  	s0 =	sld [smem:$0x3F9E];
	_ =	swait.ge [sflag:s4], $0x0  }
0x19: {  	s7 =	sld [smem:$0x3F9F]  }
0x1a: {  	s8 =	sadd.s32 $0xFFFFE003, lr  }
0x1b: {  	s9 =	sadd.s32 $0xFFFFFEF7, lr;
	s5 =	simm.s32 $0xFFFFFFFF;
	p2 =	slt.u32 s8, $0xFFFFF086  }
0x1c: {  	p1 =	slt.u32 s9, $0xF7A;
	s5 =	simm.s32 @!p2 $0x0  }
0x1d: {  	s5 =	simm.s32 @p1 $0x1;
	p0 =	seq.s32 s7, s2  }
0x1e: {  	s7 =	smul.u32 @!p0 $0xF7A, s2;
	p2 =	seq.s32 @!p0 s5, $0x0  }
0x1f: {  	s9 =	smul.u32 $0xF7A, s1;
	s8 =	simm.s32 @!p0 $0x1BF5;
	p2 =	por !p2, p0  }
0x20: {  	[sflag:s8] =	ssyncset.s32 @!p0 $0xFFFFF086;
	s6 =	sadd.s32 @!p0 s3, s7;
	s7 =	simm.s32 @!p0 $0x108  }
0x21: {  	s3 =	sadd.s32 s3, s9;
	s6 =	sadd.s32 @!p0 $0x88, s6;
	s7 =	simm.s32 @p2 $0x1082  }
0x22: {  	[simem:s7], [sflag:s8] =	dma.local @!p0 [hbm:s6], $0xF7A  }
0x23: {  	s9 =	sor.u32 $0xD0000000, s2;
	s6 =	simm.s32 $0x108;
	_ =	swait.ge @!p0 [sflag:s8], $0x0  }
0x24: {  	s3 =	sadd.s32 $0x88, s3;
	s6 =	simm.s32 @!p1 $0x1082;
	[sflag:s4] =	ssyncset.s32 $0xFFFFF086  }
0x25: {  	[simem:s6], [sflag:s4] =	dma.local [hbm:s3], $0xF7A  }
0x26: {  	[smem:$0x3F9F] =	sst s1;
	(tag) =	ssettag s2;
	_ =	strace s9  }
0x27: {  	s1 =	sld [smem:$0x3FAF]  }
0x28: {  	s2 =	sld [smem:$0x3FB0]  }
0x29: {  	s4 =	sld [smem:$0x3FB2]  }
0x2a: {  	p0 =	seq.s32 s5, $0x0;
	s5 =	sld [smem:$0x3FB3]  }
0x2b: {  	s6 =	sld [smem:$0x3FB4]  }
0x2c: {  	s7 =	sld [smem:$0x3FB5]  }
0x2d: {  	s3 =	simm.s32 $0x108;
	s8 =	sld [smem:$0x3FB6]  }
0x2e: {  	s3 =	simm.s32 @!p0 $0x1082;
	s9 =	sld [smem:$0x3FB7]  }
0x2f: {  	lr =	sadd.s32 s0, s3;
	s0 =	sld [smem:$0x3FAE]  }
0x30: {  	s3 =	sld [smem:$0x3FB1]  }
0x31: {  	[smem:$0x3FBA] =	sst s10  }
0x32: {  	s10 =	sld [smem:$0x3FB8];
	_ =	sdelay $0x3  }
0x33: {  	p0 =	seq.s32 s10, $0x1;
	s10 =	sld [smem:$0x3FBA];
	_ =	sdelay $0x3  }
0x34: {  	[smem:$0x3FBA] =	sst s10  }
0x35: {  	s10 =	sld [smem:$0x3FB9];
	_ =	sdelay $0x3  }
0x36: {  	p1 =	seq.s32 s10, $0x1;
	s10 =	sld [smem:$0x3FBA];
	_ =	sdelay $0x3  }
0x37: {  	[smem:$0x3FBA] =	sst s10  }
0x38: {  	s10 =	sld [smem:$0x3FBB]  }
0x39: {  	_ = 	snop;
	(pc) =	sbr.ind lr, $3  }
0x3a: {  	_ = 	snop  }
0x3b: {  	_ = 	snop  }
0x3c: {  	p2 =	seq.s32 s10, $0x1;
	s10 =	sld [smem:$0x3FBA]  }
0x3d: {  	_ =	shalt  }
0x3e: {  	_ =	shalt  }
0x3f: {  	_ =	shalt  }
0x40: {  	_ =	shalt  }
0x41: {  	_ =	shalt  }
0x42: {  	_ =	shalt  }
0x43: {  	_ =	shalt  }
0x44: {  	_ =	shalt  }
0x45: {  	_ =	shalt  }
0x46: {  	_ =	shalt  }
0x47: {  	_ =	shalt  }
0x48: {  	_ =	shalt  }
0x49: {  	_ =	shalt  }
0x4a: {  	_ =	shalt  }
0x4b: {  	_ =	shalt  }
0x4c: {  	_ =	shalt  }
0x4d: {  	_ =	shalt  }
0x4e: {  	_ =	shalt  }
0x4f: {  	_ =	shalt  }
0x50: {  	_ =	shalt  }
0x51: {  	_ =	shalt  }
0x52: {  	_ =	shalt  }
0x53: {  	_ =	shalt  }
0x54: {  	_ =	shalt  }
0x55: {  	_ =	shalt  }
0x56: {  	_ =	shalt  }
0x57: {  	_ =	shalt  }
0x58: {  	_ =	shalt  }
0x59: {  	_ =	shalt  }
0x5a: {  	_ =	shalt  }
0x5b: {  	_ =	shalt  }
0x5c: {  	_ =	shalt  }
0x5d: {  	_ =	shalt  }
0x5e: {  	_ =	shalt  }
0x5f: {  	_ =	shalt  }
0x60: {  	_ =	shalt  }
0x61: {  	_ =	shalt  }
0x62: {  	_ =	shalt  }
0x63: {  	_ =	shalt  }
0x64: {  	_ =	shalt  }
0x65: {  	_ =	shalt  }
0x66: {  	_ =	shalt  }
0x67: {  	_ =	shalt  }
0x68: {  	_ =	shalt  }
0x69: {  	_ =	shalt  }
0x6a: {  	_ =	shalt  }
0x6b: {  	_ =	shalt  }
0x6c: {  	_ =	shalt  }
0x6d: {  	_ =	shalt  }
0x6e: {  	_ =	shalt  }
0x6f: {  	_ =	shalt  }
0x70: {  	_ =	shalt  }
0x71: {  	_ =	shalt  }
0x72: {  	_ =	shalt  }
0x73: {  	_ =	shalt  }
0x74: {  	_ =	shalt  }
0x75: {  	_ =	shalt  }
0x76: {  	_ =	shalt  }
0x77: {  	_ =	shalt  }
0x78: {  	_ =	shalt  }
0x79: {  	_ =	shalt  }
0x7a: {  	_ =	shalt  }
0x7b: {  	_ =	shalt  }
0x7c: {  	_ =	shalt  }
0x7d: {  	_ =	shalt  }
0x7e: {  	_ =	shalt  }
0x7f: {  	_ =	shalt  }
0x80: {  	_ =	shalt  }
0x81: {  	_ =	shalt  }
0x82: {  	_ =	shalt  }
0x83: {  	_ =	shalt  }
0x84: {  	_ =	shalt  }
0x85: {  	_ =	shalt  }
0x86: {  	_ =	shalt  }
0x87: {  	_ =	shalt  }
.Lfunc_end0:
.L_simem_size_0:
called_computation_lowered:
.L_overlay_start_0:
0x88: {  	s2 =	sld [smem:$0x3FD9]  }
0x89: {  	s3 =	sld [smem:$0x3FFE];
	_ =	sdelay $0x1  }
0x8a: {  	s1 =	srdreg.scid  }
0x8b: {  	s0 =	sand.u32 $0x1, s1  }
0x8c: {  	s17 =	sshll.u32 s0, $0xA;
	s2 =	sadd.s32 s3, s2  }
0x8d: {  	s2 =	sadd.s32 s2, s17  }
0x8e: {  	[smem:$0x3FC6] =	sst s2  }
0x8f: {  	_ = 	snop  }
0x90: {  	s2 =	sld [smem:$0x3FC8]  }
0x91: {  	s18 =	sld [smem:$0x3FD0];
	(tm) =	ssettm $0x1  }
0x92: {  	s4 =	sld [smem:$0x3FFB];
	_ =	sdelay $0x3  }
0x93: {  	_ =	strace s4  }
0x94: {  	s4 =	sld [smem:$0x3FFC];
	_ =	sdelay $0x3  }
0x95: {  	_ =	strace s4  }
0x96: {  	s4 =	sld [smem:$0x3FFD];
	_ =	sdelay $0x3  }
0x97: {  	_ =	strace s4  }
0x98: {  	_ =	strace $0x8FFFFFFF  }
0x99: {  	s19 =	sld [smem:$0x3FDB];
	_ =	sdelay $0x1  }
0x9a: {  	s5 =	simm.s32 $_scs_section_size  }
0x9b: {  	s6 =	simm.s32 $_size__tile_overlayer_lowered;
	s7 =	simm.s32 $_tile_overlayer_lowered  }
0x9c: {  	s22 =	simm.s32 $0x1BFF;
	s21 =	sshll.u32 s7, $0x1;
	s4 =	sadd.s32 s5, s19  }
0x9d: {  	s8 =	simm.s32 $0x0;
	s20 =	sshll.u32 s6, $0x1;
	s6 =	sadd.s32 s21, s4  }
0x9e: {  	[timem:s8], [sflag:s22] =	dma.local [hbm:s6], s20  }
0x9f: {  	_ =	swait.ge [sflag:s22], s20  }
0xa0: {  	s5 =	ssub.s32 $0x0, s20;
	[sflag:s22] =	ssyncset.done $0x0  }
0xa1: {  	[sflag:s22] =	ssyncadd.s32 s5;
	_ =	sdelay $0x1  }
0xa2: {  	s23 =	simm.s32 $0x1B8B  }
0xa3: {  	_ =	swait.ge [sflag:s23], $0x1  }
0xa4: {  	[sflag:s23] =	ssyncset.done $0x0  }
0xa5: {  	s25 =	simm.s32 $0x1B8E;
	s24 =	sld [smem:$0x3FFE];
	[sflag:s23] =	ssyncadd.s32 $0xFFFFFFFF  }
0xa6: {  	s26 =	simm.s32 $execute0_lowered;
	[smem:$0x3FD2] =	sst s25  }
0xa7: {  	s6 =	sshll.u32 s26, $0x1;
	_ =	strace $0x80000046;
	[dreg:$0x1] =	wrdreg $0xFFFFFFFF  }
0xa8: {  	s28 =	simm.s32 $_size_execute0_lowered;
	s4 =	sadd.s32 s4, s6;
	[dreg:$0x0] =	wrdreg $0x0  }
0xa9: {  	s6 =	sshll.u32 s28, $0x1;
	[dreg:$0x2] =	wrdreg s4  }
0xaa: {  	[dreg:$0x3] =	wrdreg s6  }
0xab: {  	[dreg:$0x4] =	wrdreg $0xC0  }
0xac: {  	_ =	task [dreg:s8], $0x5FFFF  }
0xad: {  	[dreg:$0x1] =	wrdreg $0xFFFFFFFF  }
0xae: {  	[dreg:$0x0] =	wrdreg $0x60  }
0xaf: {  	[dreg:$0x2] =	wrdreg s2  }
0xb0: {  	[dreg:$0x3] =	wrdreg s24  }
0xb1: {  	[dreg:$0x4] =	wrdreg s18  }
0xb2: {  	[dreg:$0x5] =	wrdreg $0x9  }
0xb3: {  	_ =	task.clear_ibuf [dreg:s8], $0x6FFFF;
	_ =	strace $0x90000046  }
0xb4: {  	s29 =	simm.s32 $0x9;
	_ =	strace $0x80000048  }
0xb5: {  	_ =	swait.ge [sflag:s29], $0x1  }
0xb6: {  	[sflag:s29] =	ssyncadd.s32 $0xFFFFFFFF  }
0xb7: {  	_ =	strace $0x90000048  }
0xb8: {  	_ =	sfence  }
0xb9: {  	s30 =	sld [smem:$0x0];
	_ =	sdelay $0x2  }
0xba: {  	s31 =	sshll.u32 s1, $0xD;
	s1 =	sshrl.u32 s1, $0x2  }
0xbb: {  	s3 =	sand.u32 $0x4000, s31;
	s1 =	sadd.s32 s1, s30  }
0xbc: {  	s0 =	sor.u32 s3, s0;
	s1 =	sshll.u32 s1, $0x11  }
0xbd: {  	s0 =	sor.u32 s1, s0  }
0xbe: {  	s0 =	sadd.s32 $0x8F2B, s0  }
0xbf: {  	[sflag:s0] =	ssyncadd.remote.s32 $0x1  }
0xc0: {  	_ =	sfence.sel $0xFFFF  }
0xc1: {  	[dreg:$0x0] =	wrdreg $0xFFFFFFFF;
	(pc) =	sbr.abs _section_cstart, $3  }
0xc2: {  	[dreg:$0x1] =	wrdreg $0xFFFFFFFF  }
0xc3: {  	_ =	task.clear_ibuf [dreg:s8], $0x2FFFF;
	_ =	strace $0x9FFFFFFF  }
0xc4: {  	(tm) =	ssettm $0x7FFFFFFF  }
0xc5: {  	_ =	shalt  }
tec
execute0_lowered:
.L_overlay_start_1:
0x0: {  	(tag) =	ssettag $0x1  }
0x1: {  	s0 =	srdreg.scid  }
0x2: {  	s5 =	stileid.u32;
	s1 =	rddreg [dreg:$0x0]  }
0x3: {  	s3 =	rddreg [dreg:$0x1];
	s4 =	simm.s32 $0x0;
	s28 =	simm.s32 $0x11400  }
0x4: {  	s30 =	simm.s32 $0x15400;
	s31 =	simm.s32 $0x5;
	s29 =	simm.s32 $0xA  }
0x5: {  	s0 =	sand.u32 $0x1, s0;
	s2 =	sshll.u32 s5, $0x1;
	s5 =	smul.u32 $0x190000, s5  }
0x6: {  	s2 =	sor.u32 s0, s2;
	s6 =	ssub.s32 $0x2, s0;
	s0 =	smul.u32 $0xC8000, s0  }
0x7: {  	[smem:$0x7FF] =	sst s4;
	s2 =	smul.u32 $0x680, s2;
	s7 =	sshrl.u32 s6, $0x1  }
0x8: {  	_ =	strace $0x80000047;
	s9 =	ssub.s32 s6, s7;
	s0 =	sadd.s32 s0, s5  }
0x9: {  	s5 =	simm.s32 $0xB;
	s6 =	simm.s32 $0xD;
	s2 =	sadd.s32 s2, s3  }
0xa: {  	s10 =	smax.u32 s9, $0x1;
	s11 =	sadd.s32 $0x1A000, s0;
	s12 =	sadd.s32 $0x18000, s0  }
0xb: {  	s13 =	sadd.s32 $0x16000, s0;
	s15 =	sadd.s32 $0x14000, s0;
	s16 =	sadd.s32 $0x12000, s0  }
0xc: {  	s17 =	sadd.s32 $0x10000, s0;
	s19 =	sadd.s32 $0xE000, s0;
	s20 =	sadd.s32 $0xC000, s0  }
0xd: {  	s21 =	sadd.s32 $0xA000, s0;
	s23 =	sadd.s32 $0x8000, s0;
	s24 =	sor.u32 $0x6000, s0  }
0xe: {  	s25 =	sor.u32 $0x4000, s0;
	s26 =	sor.u32 $0x2000, s0;
	s3 =	simm.s32 $0x10  }
0xf: {  	s9 =	simm.s32 $0x0;
	s2 =	sadd.s32 $0x400, s2;
	[dreg:$0x5] =	wrdreg s10  }
0x10: {  	s14 =	sshrl.u32 s13, $0x3;
	s18 =	sshrl.u32 s17, $0x3;
	[dreg:$0x4] =	wrdreg s2  }
0x11: {  	s22 =	sshrl.u32 s21, $0x3;
	s17 =	sshrl.u32 s24, $0x3;
	[dreg:$0x8] =	wrdreg s14  }
0x12: {  	s10 =	simm.s32 $0x9400;
	s24 =	simm.s32 $0x7;
	[dreg:$0xb] =	wrdreg s18  }
0x13: {  	s13 =	simm.s32 $0x9;
	s2 =	sshrl.u32 s11, $0x3;
	[dreg:$0xe] =	wrdreg s22  }
0x14: {  	s18 =	sshrl.u32 s25, $0x3;
	s22 =	simm.s32 $0x40;
	s25 =	simm.s32 $0x5400  }
0x15: {  	s11 =	simm.s32 $0x1D400;
	[dreg:$0x6] =	wrdreg s2;
	s2 =	sshrl.u32 s12, $0x3  }
0x16: {  	s14 =	simm.s32 $0xC;
	[dreg:$0x7] =	wrdreg s2;
	s2 =	sshrl.u32 s15, $0x3  }
0x17: {  	s12 =	simm.s32 $0x6;
	[dreg:$0x9] =	wrdreg s2;
	s2 =	sshrl.u32 s16, $0x3  }
.Ltmp0:
0x18: {  	s15 =	simm.s32 $0xE;
	[dreg:$0xa] =	wrdreg s2;
	(pc) =	sbr.rel .LBB2_1-.Ltmp0, $4  }
0x19: {  	s2 =	sshrl.u32 s19, $0x3;
	s19 =	sshrl.u32 s26, $0x3;
	s26 =	simm.s32 $0x19400  }
0x1a: {  	[dreg:$0xc] =	wrdreg s2;
	s2 =	sshrl.u32 s20, $0x3;
	s20 =	sshrl.u32 s0, $0x3  }
0x1b: {  	s0 =	simm.s32 $0x8;
	[dreg:$0xd] =	wrdreg s2;
	s2 =	sshrl.u32 s23, $0x3  }
0x1c: {  	s23 =	simm.s32 $0x3400;
	[dreg:$0xf] =	wrdreg s2;
	s2 =	simm.s32 $0xF  }
.LBB2_6:
0x1d: {  	_ =	swait.ge [sflag:s2], $0x2000  }
0x1e: {  	[sflag:s2] =	ssyncset.done $0x0  }
0x1f: {  	[sflag:s2] =	ssyncadd.s32 $0xFFFFE000  }
0x20: {  	_ =	swait.ge [sflag:s3], $0x2000  }
0x21: {  	[sflag:s3] =	ssyncset.done $0x0  }
0x22: {  	s7 =	simm.s32 $0x11;
	[sflag:s3] =	ssyncadd.s32 $0xFFFFE000  }
0x23: {  	_ =	swait.ge [sflag:s7], $0x2000  }
0x24: {  	[sflag:s7] =	ssyncset.done $0x0  }
0x25: {  	s9 =	simm.s32 $0x12;
	[sflag:s7] =	ssyncadd.s32 $0xFFFFE000  }
0x26: {  	_ =	swait.ge [sflag:s9], $0x2000  }
0x27: {  	[sflag:s9] =	ssyncset.done $0x0  }
0x28: {  	s16 =	simm.s32 $0x13;
	[sflag:s9] =	ssyncadd.s32 $0xFFFFE000  }
0x29: {  	_ =	swait.ge [sflag:s16], $0x2000  }
0x2a: {  	[sflag:s16] =	ssyncset.done $0x0  }
0x2b: {  	s21 =	simm.s32 $0x14;
	[sflag:s16] =	ssyncadd.s32 $0xFFFFE000  }
0x2c: {  	_ =	swait.ge [sflag:s21], $0x2000  }
0x2d: {  	[sflag:s21] =	ssyncset.done $0x0  }
0x2e: {  	s8 =	simm.s32 $0x15;
	[sflag:s21] =	ssyncadd.s32 $0xFFFFE000  }
0x2f: {  	_ =	swait.ge [sflag:s8], $0x2000  }
0x30: {  	[sflag:s8] =	ssyncset.done $0x0  }
0x31: {  	s9 =	simm.s32 $0x16;
	[sflag:s8] =	ssyncadd.s32 $0xFFFFE000  }
0x32: {  	_ =	swait.ge [sflag:s9], $0x2000  }
0x33: {  	[sflag:s9] =	ssyncset.done $0x0  }
0x34: {  	s16 =	simm.s32 $0x17;
	[sflag:s9] =	ssyncadd.s32 $0xFFFFE000  }
0x35: {  	_ =	swait.ge [sflag:s16], $0x2000  }
0x36: {  	[sflag:s16] =	ssyncset.done $0x0  }
0x37: {  	s21 =	simm.s32 $0x18;
	[sflag:s16] =	ssyncadd.s32 $0xFFFFE000  }
0x38: {  	_ =	swait.ge [sflag:s21], $0x2000  }
0x39: {  	[sflag:s21] =	ssyncset.done $0x0  }
0x3a: {  	s8 =	simm.s32 $0x19;
	[sflag:s21] =	ssyncadd.s32 $0xFFFFE000  }
0x3b: {  	_ =	swait.ge [sflag:s8], $0x2000  }
0x3c: {  	[sflag:s8] =	ssyncset.done $0x0  }
0x3d: {  	s9 =	simm.s32 $0x1A;
	[sflag:s8] =	ssyncadd.s32 $0xFFFFE000  }
0x3e: {  	_ =	swait.ge [sflag:s9], $0x2000  }
0x3f: {  	[sflag:s9] =	ssyncset.done $0x0  }
0x40: {  	s16 =	simm.s32 $0x1B;
	[sflag:s9] =	ssyncadd.s32 $0xFFFFE000  }
0x41: {  	_ =	swait.ge [sflag:s16], $0x2000  }
0x42: {  	[sflag:s16] =	ssyncset.done $0x0  }
0x43: {  	s8 =	simm.s32 $0x1C;
	[sflag:s16] =	ssyncadd.s32 $0xFFFFE000  }
0x44: {  	_ =	swait.ge [sflag:s8], $0x2000  }
0x45: {  	s9 =	rddreg [dreg:$0x10]  }
0x46: {  	s21 =	rddreg [dreg:$0x5];
	s9 =	sadd.s32 $0x1, s9  }
0x47: {  	p0 =	sne.s32 s9, s21  }
.Ltmp1:
0x48: {  	_ = 	snop;
	(pc) =	sbr.rel @!p0 .LBB2_7-.Ltmp1, $3  }
0x49: {  	_ =	sdelay $0x1  }
0x4a: {  	[sflag:s8] =	ssyncset.done $0x0  }
0x4b: {  	[sflag:s8] =	ssyncadd.s32 $0xFFFFE000  }
.LBB2_1:
0x4c: {  	[dreg:$0x10] =	wrdreg s9  }
0x4d: {  	s7 =	rddreg [dreg:$0x4];
	s9 =	simm.s32 $0x1D  }
0x4e: {  	[tilespmem:s4], [sflag:$0x1D] =	stream.linear.gather [hbm4b:s7+s4], $0x3200, $0x38;
	[tilespmem:$0x1F400] =	vst v63  }
0x4f: {  	_ =	swait.ge [sflag:s9], $0x3200  }
0x50: {  	[sflag:s9] =	ssyncset.done $0x0  }
0x51: {  	[sflag:s9] =	ssyncadd.s32 $0xFFFFCE00  }
0x52: {  	[tilespmem:s23], [sflag:$0x1] =	stream.indirect.gather [hbm4b:s1+s22], $0x80, s4, s22, $0xb8;
	[tilespmem:$0x1F400] =	vst v63  }
0x53: {  	s16 =	simm.s32 $0x80  }
0x54: {  	[tilespmem:s25], [sflag:$0x2] =	stream.indirect.gather [hbm4b:s1+s22], $0x80, s16, s22, $0xb8;
	[tilespmem:$0x1F400] =	vst v63  }
0x55: {  	s21 =	simm.s32 $0x100;
	s8 =	simm.s32 $0x7400  }
0x56: {  	[tilespmem:s8], [sflag:$0x3] =	stream.indirect.gather [hbm4b:s1+s22], $0x80, s21, s22, $0xb8;
	[tilespmem:$0x1F400] =	vst v63  }
0x57: {  	s9 =	simm.s32 $0x180  }
0x58: {  	[tilespmem:s10], [sflag:$0x4] =	stream.indirect.gather [hbm4b:s1+s22], $0x80, s9, s22, $0xb8;
	[tilespmem:$0x1F400] =	vst v63  }
0x59: {  	s16 =	simm.s32 $0x200;
	s21 =	simm.s32 $0xB400  }
0x5a: {  	[tilespmem:s21], [sflag:$0x5] =	stream.indirect.gather [hbm4b:s1+s22], $0x80, s16, s22, $0xb8;
	[tilespmem:$0x1F400] =	vst v63  }
0x5b: {  	s8 =	simm.s32 $0x280;
	s9 =	simm.s32 $0xD400  }
0x5c: {  	[tilespmem:s9], [sflag:$0x6] =	stream.indirect.gather [hbm4b:s1+s22], $0x80, s8, s22, $0xb8;
	[tilespmem:$0x1F400] =	vst v63  }
0x5d: {  	s16 =	simm.s32 $0x300;
	s21 =	simm.s32 $0xF400  }
0x5e: {  	[tilespmem:s21], [sflag:$0x7] =	stream.indirect.gather [hbm4b:s1+s22], $0x80, s16, s22, $0xb8;
	[tilespmem:$0x1F400] =	vst v63  }
0x5f: {  	s9 =	simm.s32 $0x380  }
0x60: {  	[tilespmem:s28], [sflag:$0x8] =	stream.indirect.gather [hbm4b:s1+s22], $0x80, s9, s22, $0xb8;
	[tilespmem:$0x1F400] =	vst v63  }
0x61: {  	s16 =	simm.s32 $0x400;
	s21 =	simm.s32 $0x13400  }
0x62: {  	[tilespmem:s21], [sflag:$0x9] =	stream.indirect.gather [hbm4b:s1+s22], $0x80, s16, s22, $0xb8;
	[tilespmem:$0x1F400] =	vst v63  }
0x63: {  	s9 =	simm.s32 $0x480  }
0x64: {  	[tilespmem:s30], [sflag:$0xA] =	stream.indirect.gather [hbm4b:s1+s22], $0x80, s9, s22, $0xb8;
	[tilespmem:$0x1F400] =	vst v63  }
0x65: {  	s16 =	simm.s32 $0x500;
	s21 =	simm.s32 $0x17400  }
0x66: {  	[tilespmem:s21], [sflag:$0xB] =	stream.indirect.gather [hbm4b:s1+s22], $0x80, s16, s22, $0xb8;
	[tilespmem:$0x1F400] =	vst v63  }
0x67: {  	s8 =	simm.s32 $0x580  }
0x68: {  	[tilespmem:s26], [sflag:$0xC] =	stream.indirect.gather [hbm4b:s1+s22], $0x80, s8, s22, $0xb8;
	[tilespmem:$0x1F400] =	vst v63  }
.Ltmp2:
0x69: {  	s9 =	simm.s32 $0x600;
	s16 =	simm.s32 $0x1B400;
	(pc) =	sbr.rel .LBB2_2-.Ltmp2, $4  }
0x6a: {  	[tilespmem:s16], [sflag:$0xD] =	stream.indirect.gather [hbm4b:s1+s22], $0x80, s9, s22, $0xb8;
	[tilespmem:$0x1F400] =	vst v63  }
0x6b: {  	s21 =	simm.s32 $0x680  }
0x6c: {  	[tilespmem:s11], [sflag:$0xE] =	stream.indirect.gather [hbm4b:s1+s22], $0x80, s21, s22, $0xb8;
	[tilespmem:$0x1F400] =	vst v63  }
0x6d: {  	s7 =	simm.s32 $0x0;
	s16 =	simm.s32 $0x0;
	s21 =	rddreg [dreg:$0x2]  }
.LBB2_5:
0x6e: {  	s7 =	sadd.s32 $0x1C00, s7  }
0x6f: {  	p0 =	sne.s32 s7, $0xE000  }
.Ltmp3:
0x70: {  	_ = 	snop;
	(pc) =	sbr.rel @!p0 .LBB2_6-.Ltmp3, $2  }
0x71: {  	_ =	sdelay $0x2  }
0x72: {  	s16 =	sadd.s32 $0x1, s16;
	s21 =	sadd.s32 $0x3800, s21  }
.LBB2_2:
0x73: {  	s8 =	simm.s32 $0x1  }
0x74: {  	_ =	swait.ge [sflag:s8], $0x2000  }
0x75: {  	[sflag:s8] =	ssyncset.done $0x0  }
0x76: {  	s9 =	sadd.s32 s21, s20;
	p0 =	seq.s32 s7, $0xC400;
	[sflag:s8] =	ssyncadd.s32 $0xFFFFE000  }
0x77: {  	[hbm4b:s9+s4] =	stream.linear.scatter [tilespmem:s23], [sflag:$0xF], $0x2000, $0x38;
	[tilespmem:$0x1F400] =	vst v63  }
.Ltmp4:
0x78: {  	s9 =	simm.s32 $0x2;
	(pc) =	sbr.rel @p0 .LBB2_6-.Ltmp4, $4  }
0x79: {  	_ =	swait.ge [sflag:s9], $0x2000  }
0x7a: {  	[sflag:s9] =	ssyncset.done $0x0  }
0x7b: {  	[sflag:s9] =	ssyncadd.s32 $0xFFFFE000;
	s9 =	sadd.s32 s21, s19  }
0x7c: {  	[hbm4b:s9+s4] =	stream.linear.scatter [tilespmem:s25], [sflag:$0x10], $0x2000, $0x38;
	[tilespmem:$0x1F400] =	vst v63  }
0x7d: {  	s8 =	simm.s32 $0x3  }
0x7e: {  	_ =	swait.ge [sflag:s8], $0x2000  }
0x7f: {  	[sflag:s8] =	ssyncset.done $0x0  }
0x80: {  	s9 =	simm.s32 $0x7400;
	[sflag:s8] =	ssyncadd.s32 $0xFFFFE000;
	s8 =	sadd.s32 s21, s18  }
0x81: {  	[hbm4b:s8+s4] =	stream.linear.scatter [tilespmem:s9], [sflag:$0x11], $0x2000, $0x38;
	[tilespmem:$0x1F400] =	vst v63  }
0x82: {  	s9 =	simm.s32 $0x4  }
0x83: {  	_ =	swait.ge [sflag:s9], $0x2000  }
0x84: {  	[sflag:s9] =	ssyncset.done $0x0  }
0x85: {  	[sflag:s9] =	ssyncadd.s32 $0xFFFFE000;
	s9 =	sadd.s32 s21, s17  }
0x86: {  	[hbm4b:s9+s4] =	stream.linear.scatter [tilespmem:s10], [sflag:$0x12], $0x2000, $0x38;
	[tilespmem:$0x1F400] =	vst v63  }
0x87: {  	_ =	swait.ge [sflag:s31], $0x2000  }
0x88: {  	[sflag:s31] =	ssyncset.done $0x0;
	s9 =	rddreg [dreg:$0xf]  }
0x89: {  	[sflag:s31] =	ssyncadd.s32 $0xFFFFE000;
	s8 =	sadd.s32 s21, s9;
	s9 =	simm.s32 $0xB400  }
0x8a: {  	[hbm4b:s8+s4] =	stream.linear.scatter [tilespmem:s9], [sflag:$0x13], $0x2000, $0x38;
	[tilespmem:$0x1F400] =	vst v63  }
0x8b: {  	_ =	swait.ge [sflag:s12], $0x2000  }
0x8c: {  	[sflag:s12] =	ssyncset.done $0x0;
	s9 =	rddreg [dreg:$0xe]  }
0x8d: {  	[sflag:s12] =	ssyncadd.s32 $0xFFFFE000;
	s8 =	sadd.s32 s21, s9;
	s9 =	simm.s32 $0xD400  }
0x8e: {  	[hbm4b:s8+s4] =	stream.linear.scatter [tilespmem:s9], [sflag:$0x14], $0x2000, $0x38;
	[tilespmem:$0x1F400] =	vst v63  }
0x8f: {  	_ =	swait.ge [sflag:s24], $0x2000  }
0x90: {  	[sflag:s24] =	ssyncset.done $0x0;
	s9 =	rddreg [dreg:$0xd]  }
0x91: {  	[sflag:s24] =	ssyncadd.s32 $0xFFFFE000;
	s8 =	sadd.s32 s21, s9;
	s9 =	simm.s32 $0xF400  }
0x92: {  	[hbm4b:s8+s4] =	stream.linear.scatter [tilespmem:s9], [sflag:$0x15], $0x2000, $0x38;
	[tilespmem:$0x1F400] =	vst v63  }
0x93: {  	_ =	swait.ge [sflag:s0], $0x2000  }
0x94: {  	[sflag:s0] =	ssyncset.done $0x0;
	s9 =	rddreg [dreg:$0xc]  }
0x95: {  	[sflag:s0] =	ssyncadd.s32 $0xFFFFE000;
	s8 =	sadd.s32 s21, s9  }
0x96: {  	[hbm4b:s8+s4] =	stream.linear.scatter [tilespmem:s28], [sflag:$0x16], $0x2000, $0x38;
	[tilespmem:$0x1F400] =	vst v63  }
0x97: {  	_ =	swait.ge [sflag:s13], $0x2000  }
0x98: {  	[sflag:s13] =	ssyncset.done $0x0;
	s9 =	rddreg [dreg:$0xb]  }
0x99: {  	[sflag:s13] =	ssyncadd.s32 $0xFFFFE000;
	s8 =	sadd.s32 s21, s9;
	s9 =	simm.s32 $0x13400  }
0x9a: {  	[hbm4b:s8+s4] =	stream.linear.scatter [tilespmem:s9], [sflag:$0x17], $0x2000, $0x38;
	[tilespmem:$0x1F400] =	vst v63  }
0x9b: {  	_ =	swait.ge [sflag:s29], $0x2000  }
0x9c: {  	[sflag:s29] =	ssyncset.done $0x0;
	s9 =	rddreg [dreg:$0xa]  }
0x9d: {  	[sflag:s29] =	ssyncadd.s32 $0xFFFFE000;
	s8 =	sadd.s32 s21, s9  }
0x9e: {  	[hbm4b:s8+s4] =	stream.linear.scatter [tilespmem:s30], [sflag:$0x18], $0x2000, $0x38;
	[tilespmem:$0x1F400] =	vst v63  }
0x9f: {  	_ =	swait.ge [sflag:s5], $0x2000  }
0xa0: {  	[sflag:s5] =	ssyncset.done $0x0;
	s9 =	rddreg [dreg:$0x9]  }
0xa1: {  	[sflag:s5] =	ssyncadd.s32 $0xFFFFE000;
	s8 =	sadd.s32 s21, s9;
	s9 =	simm.s32 $0x17400  }
0xa2: {  	[hbm4b:s8+s4] =	stream.linear.scatter [tilespmem:s9], [sflag:$0x19], $0x2000, $0x38;
	[tilespmem:$0x1F400] =	vst v63  }
0xa3: {  	_ =	swait.ge [sflag:s14], $0x2000  }
0xa4: {  	[sflag:s14] =	ssyncset.done $0x0;
	s9 =	rddreg [dreg:$0x8]  }
0xa5: {  	[sflag:s14] =	ssyncadd.s32 $0xFFFFE000;
	s8 =	sadd.s32 s21, s9  }
0xa6: {  	[hbm4b:s8+s4] =	stream.linear.scatter [tilespmem:s26], [sflag:$0x1A], $0x2000, $0x38;
	[tilespmem:$0x1F400] =	vst v63  }
0xa7: {  	_ =	swait.ge [sflag:s6], $0x2000  }
0xa8: {  	[sflag:s6] =	ssyncset.done $0x0;
	s9 =	rddreg [dreg:$0x7]  }
0xa9: {  	[sflag:s6] =	ssyncadd.s32 $0xFFFFE000;
	s8 =	sadd.s32 s21, s9;
	s9 =	simm.s32 $0x1B400  }
0xaa: {  	[hbm4b:s8+s4] =	stream.linear.scatter [tilespmem:s9], [sflag:$0x1B], $0x2000, $0x38;
	[tilespmem:$0x1F400] =	vst v63  }
0xab: {  	_ =	swait.ge [sflag:s15], $0x2000  }
0xac: {  	[sflag:s15] =	ssyncset.done $0x0;
	s9 =	rddreg [dreg:$0x6]  }
0xad: {  	[sflag:s15] =	ssyncadd.s32 $0xFFFFE000;
	s8 =	sadd.s32 s21, s9  }
0xae: {  	[hbm4b:s8+s4] =	stream.linear.scatter [tilespmem:s11], [sflag:$0x1C], $0x2000, $0x38;
	[tilespmem:$0x1F400] =	vst v63  }
0xaf: {  	_ =	swait.ge [sflag:s2], $0x2000  }
0xb0: {  	s8 =	sshra.s32 s7, $0x2;
	[sflag:s2] =	ssyncset.done $0x0  }
0xb1: {  	p0 =	sgt.u32 s16, $0x5;
	s9 =	sadd.s32 $0x700, s8;
	[sflag:s2] =	ssyncadd.s32 $0xFFFFE000  }
0xb2: {  	[tilespmem:s23], [sflag:$0x1] =	stream.indirect.gather [hbm4b:s1+s22], $0x80, s9, s22, $0xb8;
	[tilespmem:$0x1F400] =	vst v63  }
.Ltmp5:
0xb3: {  	_ = 	snop;
	(pc) =	sbr.rel @p0 .LBB2_5-.Ltmp5, $4  }
0xb4: {  	_ =	swait.ge [sflag:s3], $0x2000  }
0xb5: {  	[sflag:s3] =	ssyncset.done $0x0  }
0xb6: {  	s9 =	sadd.s32 $0x780, s8;
	[sflag:s3] =	ssyncadd.s32 $0xFFFFE000  }
0xb7: {  	[tilespmem:s25], [sflag:$0x2] =	stream.indirect.gather [hbm4b:s1+s22], $0x80, s9, s22, $0xb8;
	[tilespmem:$0x1F400] =	vst v63  }
0xb8: {  	s9 =	simm.s32 $0x11  }
0xb9: {  	_ =	swait.ge [sflag:s9], $0x2000  }
0xba: {  	s25 =	sadd.s32 $0x800, s8;
	[sflag:s9] =	ssyncset.done $0x0  }
0xbb: {  	s26 =	simm.s32 $0x7400;
	s11 =	simm.s32 $0x12;
	[sflag:s9] =	ssyncadd.s32 $0xFFFFE000  }
0xbc: {  	[tilespmem:s26], [sflag:$0x3] =	stream.indirect.gather [hbm4b:s1+s22], $0x80, s25, s22, $0xb8;
	[tilespmem:$0x1F400] =	vst v63  }
0xbd: {  	s10 =	smov.u32 s17;
	_ =	swait.ge [sflag:s11], $0x2000  }
0xbe: {  	s23 =	sadd.s32 $0x880, s8;
	s17 =	smov.u32 s10;
	[sflag:s11] =	ssyncset.done $0x0  }
0xbf: {  	s10 =	simm.s32 $0x9400;
	s25 =	simm.s32 $0x13;
	[sflag:s11] =	ssyncadd.s32 $0xFFFFE000  }
0xc0: {  	[tilespmem:s10], [sflag:$0x4] =	stream.indirect.gather [hbm4b:s1+s22], $0x80, s23, s22, $0xb8;
	[tilespmem:$0x1F400] =	vst v63  }
0xc1: {  	s26 =	smov.u32 s19;
	_ =	swait.ge [sflag:s25], $0x2000  }
0xc2: {  	s9 =	sadd.s32 $0x900, s8;
	s19 =	smov.u32 s26;
	[sflag:s25] =	ssyncset.done $0x0  }
0xc3: {  	s26 =	simm.s32 $0x14;
	[sflag:s25] =	ssyncadd.s32 $0xFFFFE000;
	s25 =	simm.s32 $0xB400  }
0xc4: {  	[tilespmem:s25], [sflag:$0x5] =	stream.indirect.gather [hbm4b:s1+s22], $0x80, s9, s22, $0xb8;
	[tilespmem:$0x1F400] =	vst v63  }
0xc5: {  	s11 =	smov.u32 s18;
	_ =	swait.ge [sflag:s26], $0x2000  }
0xc6: {  	s18 =	smov.u32 s11;
	s11 =	sadd.s32 $0x980, s8;
	[sflag:s26] =	ssyncset.done $0x0  }
0xc7: {  	s25 =	simm.s32 $0xD400;
	[sflag:s26] =	ssyncadd.s32 $0xFFFFE000;
	s26 =	simm.s32 $0x15  }
0xc8: {  	[tilespmem:s25], [sflag:$0x6] =	stream.indirect.gather [hbm4b:s1+s22], $0x80, s11, s22, $0xb8;
	[tilespmem:$0x1F400] =	vst v63  }
0xc9: {  	_ =	swait.ge [sflag:s26], $0x2000  }
0xca: {  	s28 =	simm.s32 $0xF400;
	[sflag:s26] =	ssyncset.done $0x0  }
0xcb: {  	s11 =	sadd.s32 $0xA00, s8;
	[sflag:s26] =	ssyncadd.s32 $0xFFFFE000;
	s26 =	simm.s32 $0x16  }
0xcc: {  	[tilespmem:s28], [sflag:$0x7] =	stream.indirect.gather [hbm4b:s1+s22], $0x80, s11, s22, $0xb8;
	[tilespmem:$0x1F400] =	vst v63  }
0xcd: {  	_ =	swait.ge [sflag:s26], $0x2000  }
0xce: {  	s28 =	simm.s32 $0x11400;
	[sflag:s26] =	ssyncset.done $0x0  }
0xcf: {  	s11 =	sadd.s32 $0xA80, s8;
	[sflag:s26] =	ssyncadd.s32 $0xFFFFE000;
	s26 =	simm.s32 $0x17  }
0xd0: {  	[tilespmem:s28], [sflag:$0x8] =	stream.indirect.gather [hbm4b:s1+s22], $0x80, s11, s22, $0xb8;
	[tilespmem:$0x1F400] =	vst v63  }
0xd1: {  	_ =	swait.ge [sflag:s26], $0x2000  }
0xd2: {  	s30 =	simm.s32 $0x13400;
	[sflag:s26] =	ssyncset.done $0x0  }
0xd3: {  	s11 =	sadd.s32 $0xB00, s8;
	[sflag:s26] =	ssyncadd.s32 $0xFFFFE000;
	s26 =	simm.s32 $0x18  }
0xd4: {  	[tilespmem:s30], [sflag:$0x9] =	stream.indirect.gather [hbm4b:s1+s22], $0x80, s11, s22, $0xb8;
	[tilespmem:$0x1F400] =	vst v63  }
0xd5: {  	_ =	swait.ge [sflag:s26], $0x2000  }
0xd6: {  	s30 =	simm.s32 $0x15400;
	[sflag:s26] =	ssyncset.done $0x0  }
0xd7: {  	s11 =	sadd.s32 $0xB80, s8;
	[sflag:s26] =	ssyncadd.s32 $0xFFFFE000;
	s26 =	simm.s32 $0x19  }
0xd8: {  	[tilespmem:s30], [sflag:$0xA] =	stream.indirect.gather [hbm4b:s1+s22], $0x80, s11, s22, $0xb8;
	[tilespmem:$0x1F400] =	vst v63  }
0xd9: {  	_ =	swait.ge [sflag:s26], $0x2000  }
0xda: {  	[sflag:s26] =	ssyncset.done $0x0  }
0xdb: {  	s11 =	sadd.s32 $0xC00, s8;
	[sflag:s26] =	ssyncadd.s32 $0xFFFFE000;
	s26 =	simm.s32 $0x17400  }
0xdc: {  	[tilespmem:s26], [sflag:$0xB] =	stream.indirect.gather [hbm4b:s1+s22], $0x80, s11, s22, $0xb8;
	[tilespmem:$0x1F400] =	vst v63  }
0xdd: {  	s11 =	simm.s32 $0x1A  }
0xde: {  	_ =	swait.ge [sflag:s11], $0x2000  }
0xdf: {  	[sflag:s11] =	ssyncset.done $0x0  }
0xe0: {  	s26 =	simm.s32 $0x19400;
	[sflag:s11] =	ssyncadd.s32 $0xFFFFE000;
	s11 =	sadd.s32 $0xC80, s8  }
0xe1: {  	[tilespmem:s26], [sflag:$0xC] =	stream.indirect.gather [hbm4b:s1+s22], $0x80, s11, s22, $0xb8;
	[tilespmem:$0x1F400] =	vst v63  }
0xe2: {  	s11 =	simm.s32 $0x1B  }
0xe3: {  	_ =	swait.ge [sflag:s11], $0x2000  }
0xe4: {  	[sflag:s11] =	ssyncset.done $0x0  }
0xe5: {  	s9 =	sadd.s32 $0xD00, s8;
	[sflag:s11] =	ssyncadd.s32 $0xFFFFE000;
	s11 =	simm.s32 $0x1B400  }
0xe6: {  	[tilespmem:s11], [sflag:$0xD] =	stream.indirect.gather [hbm4b:s1+s22], $0x80, s9, s22, $0xb8;
	[tilespmem:$0x1F400] =	vst v63  }
.Ltmp6:
0xe7: {  	s23 =	smov.u32 s20;
	s9 =	simm.s32 $0x1C;
	(pc) =	sbr.rel .LBB2_5-.Ltmp6, $4  }
0xe8: {  	s20 =	smov.u32 s23;
	_ =	swait.ge [sflag:s9], $0x2000  }
0xe9: {  	s23 =	simm.s32 $0x3400;
	s25 =	simm.s32 $0x5400;
	[sflag:s9] =	ssyncset.done $0x0  }
0xea: {  	s11 =	simm.s32 $0x1D400;
	[sflag:s9] =	ssyncadd.s32 $0xFFFFE000;
	s9 =	sadd.s32 $0xD80, s8  }
0xeb: {  	[tilespmem:s11], [sflag:$0xE] =	stream.indirect.gather [hbm4b:s1+s22], $0x80, s9, s22, $0xb8;
	[tilespmem:$0x1F400] =	vst v63  }
.LBB2_7:
0xec: {  	_ =	sfence.sel $0x180000  }
0xed: {  	[bflag:$0x0] =	sbarrier.arrive $0xFFFF  }
0xee: {  	_ =	strace $0x90000047  }
0xef: {  	s0 =	stileid.u32;
	[bflag:$0x2] =	sbarrier.arrive $0xFFFF  }
0xf0: {  	p0 =	sne.s32 s0, $0x0;
	s0 =	rddreg [dreg:$0x3]  }
0xf1: {  	s0 =	sadd.s32 @!p0 $0x100000, s0  }
0xf2: {  	[sflag:s0] =	ssyncadd.tile.s32 @!p0 $0x1;
	_ =	shalt  }
.Lfunc_end2:
_tile_overlayer_lowered:
.L_overlay_start_2:
0xf3: {  	(tag) =	ssettag $0x2  }
0xf4: {  	s0 =	rddreg [dreg:$0x0];
	s2 =	stileid.u32  }
0xf5: {  	s1 =	rddreg [dreg:$0x1];
	p0 =	sne.s32 s2, $0x0  }
0xf6: {  	s3 =	rddreg [dreg:$0x2];
	[bflag:$0x3] =	sbarrier.arrive $0xFFFF;
	s2 =	simm.s32 @!p0 $0x1C1D  }
0xf7: {  	[timem:s3], [sflag:s2] =	dma.local @!p0 [hbm:s0], s1  }
0xf8: {  	s0 =	simm.s32 @!p0 $0x1D  }
0xf9: {  	_ =	swait.ge @!p0 [sflag:s0], s1  }
0xfa: {  	s1 =	ssub.s32 @!p0 $0x0, s1;
	[sflag:s0] =	ssyncset.done @!p0 $0x0  }
0xfb: {  	[sflag:s0] =	ssyncadd.s32 @!p0 s1  }
0xfc: {  	[bflag:$0x3] =	sbarrier.arrive $0xFFFF  }
0xfd: {  	_ =	shalt  }

</sc_bundles>
